<compile_context>
chip_gen: v7x
topology: tpu7x:2x2x1
jax: 0.10.2.dev20260603
libtpu: 0.0.44.dev20260713+nightly
codegen_flags: <defaults>
</compile_context>

<pallas_src>
import functools

import jax
import jax.numpy as jnp
from jax import lax
from jax.experimental import pallas as pl
from jax.experimental.pallas import tpu as pltpu
from jax.experimental.pallas import tpu_sc as plsc

N_NODE = 4096
N_LOC = 3
N_T = 4
BATCH = 65536
TAU_MAX = 50.0
PLANE = N_NODE * N_NODE

_INFO = plsc.get_sparse_core_info()
NC = _INFO.num_cores
NS = _INFO.num_subcores
L = _INFO.num_lanes
NW = NC * NS
BPW = BATCH // NW
NSUB = 4
CHUNK = BPW // NSUB
CPS = CHUNK // L


@functools.partial(
    pl.kernel,
    mesh=plsc.VectorSubcoreMesh(core_axis_name="c", subcore_axis_name="s"),
    out_type=jax.ShapeDtypeStruct((BATCH,), jnp.float32),
    scratch_types=[
        pltpu.VMEM((BPW,), jnp.float32),
        pltpu.VMEM((BPW,), jnp.int32),
        pltpu.VMEM((BPW,), jnp.int32),
        pltpu.VMEM((NSUB * N_LOC * CHUNK,), jnp.int32),
        pltpu.VMEM((NSUB * N_LOC * CHUNK,), jnp.float32),
        pltpu.VMEM((BPW,), jnp.float32),
        pltpu.VMEM((N_T * N_LOC + N_T, L), jnp.float32),
        pltpu.SemaphoreType.DMA,
        pltpu.SemaphoreType.DMA,
        pltpu.SemaphoreType.DMA,
        pltpu.SemaphoreType.DMA,
        pltpu.SemaphoreType.DMA,
        pltpu.SemaphoreType.DMA,
        pltpu.SemaphoreType.DMA,
        pltpu.SemaphoreType.DMA,
    ],
)
def _sc_cheb_filter(bv_h, dt_h, xi_h, yi_h, ws_h, out_h,
                    dt_v, xi_v, yi_v, idx_v, g_v, o_v, ws_v,
                    sem_dt, sem_xi, sem_yi, sem_ws, sg0, sg1, sg2, sg3):
    sg = (sg0, sg1, sg2, sg3)
    wid = lax.axis_index("s") * NC + lax.axis_index("c")
    base = wid * BPW
    cp_dt = pltpu.async_copy(dt_h.at[pl.ds(base, BPW)], dt_v, sem_dt)
    cp_xi = pltpu.async_copy(xi_h.at[pl.ds(base, BPW)], xi_v, sem_xi)
    cp_yi = pltpu.async_copy(yi_h.at[pl.ds(base, BPW)], yi_v, sem_yi)
    cp_ws = pltpu.async_copy(ws_h, ws_v, sem_ws)
    cp_xi.wait()
    cp_yi.wait()

    gathers = []
    for k in range(NSUB):
        @plsc.parallel_loop(0, CPS, unroll=4)
        def build_idx(c, _k=k):
            s = pl.ds(_k * CHUNK + c * L, L)
            r = yi_v[s]
            cc = xi_v[s]
            fi = ((r >> 3) << 15) + ((cc >> 7) << 10) + ((r & 7) << 7) + (cc & 127)
            kb = _k * N_LOC * CHUNK
            idx_v[pl.ds(kb + c * L, L)] = fi
            idx_v[pl.ds(kb + CHUNK + c * L, L)] = fi + PLANE
            idx_v[pl.ds(kb + 2 * CHUNK + c * L, L)] = fi + 2 * PLANE

        kb = k * N_LOC * CHUNK
        gathers.append(pltpu.async_copy(
            bv_h.at[idx_v.at[pl.ds(kb, N_LOC * CHUNK)]],
            g_v.at[pl.ds(kb, N_LOC * CHUNK)], sg[k]))

    cp_dt.wait()
    cp_ws.wait()
    w = [ws_v[m] for m in range(N_T * N_LOC)]
    ns = []
    for i in range(N_T):
        sig = ws_v[N_T * N_LOC + i]
        ns.append(-1.0 / (2.0 * sig * sig))

    for k in range(NSUB):
        gathers[k].wait()

        @plsc.parallel_loop(0, CPS, unroll=2)
        def combine(c, _k=k):
            s = pl.ds(_k * CHUNK + c * L, L)
            dt = dt_v[s]
            dt2 = dt * dt
            es = [jnp.exp(dt2 * ns[i]) for i in range(N_T)]
            res = jnp.zeros((L,), jnp.float32)
            for j in range(N_LOC):
                a = w[j] * es[0]
                for i in range(1, N_T):
                    a = a + w[i * N_LOC + j] * es[i]
                res = res + a * g_v[pl.ds(_k * N_LOC * CHUNK + j * CHUNK + c * L, L)]
            o_v[s] = jnp.where(dt <= TAU_MAX, res, 0.0)

    pltpu.sync_copy(o_v, out_h.at[pl.ds(base, BPW)])


def kernel(x, y, xi, yi, B, mask_B, weights, sigmas):
    del mask_B
    dt = x[:, 0] - y[:, 0]
    xi32 = xi.astype(jnp.int32)
    yi32 = yi.astype(jnp.int32)
    bflat = (B.reshape(N_LOC, N_NODE // 8, 8, N_NODE // 128, 128)
             .transpose(0, 1, 3, 2, 4)
             .reshape(N_LOC * PLANE))
    ws = jnp.broadcast_to(
        jnp.concatenate([weights.astype(jnp.float32).reshape(N_T * N_LOC),
                         sigmas.astype(jnp.float32)])[:, None],
        (N_T * N_LOC + N_T, L))
    return _sc_cheb_filter(bflat, dt, xi32, yi32, ws)

# --- scband reference (transcript-rebuilt; emitter-appended) ---
"""Pipeline reference for scband-temporal-parametric-kernel-chebnet-local-filter-on-graph-24077586661967 (READ-ONLY COPY).

The authoritative reference and input builder live on the scoring server;
editing this copy changes nothing except your own understanding.
"""

import jax, jax.numpy as jnp
import numpy as np

N_NODE = 4096
AVG_DEG = 16
N_LOC = 3
N_T = 4
BATCH = 65536
T_MAX = 100.0
TAU_MAX = 50.0


def _build_filters():
    # Build a random undirected graph and the ChebNet-rescaled Laplacian filter bank,
    # mirroring get_laplacian(normalization='sym') + LaplacianLambdaMax + Chebyshev recursion.
    rng = np.random.default_rng(0)
    n_edges = N_NODE * AVG_DEG
    src = rng.integers(0, N_NODE, n_edges)
    dst = rng.integers(0, N_NODE, n_edges)
    A = np.zeros((N_NODE, N_NODE), dtype=np.float32)
    A[src, dst] = 1.0
    A = np.maximum(A, A.T)  # undirected
    np.fill_diagonal(A, 0.0)
    deg = A.sum(axis=1)
    dinv = 1.0 / np.sqrt(np.maximum(deg, 1e-12))
    I = np.eye(N_NODE, dtype=np.float32)
    L = I - (dinv[:, None] * A) * dinv[None, :]  # sym-normalized Laplacian
    lambda_max = 2.0  # ChebNet convention for sym-normalized Laplacian
    Ls = 2.0 * L / lambda_max - I
    filts = [I, Ls]
    for _ in range(N_LOC - 2):
        filts.append(2.0 * (Ls @ filts[-1]) - filts[-2])
    return np.stack(filts, axis=0).astype(np.float32)  # [N_LOC, N, N]


def setup_inputs(seed: int = 0) -> dict:
    key = jax.random.key(seed)
    ks = jax.random.split(key, 6)
    xt = jax.random.uniform(ks[0], (BATCH,), dtype=jnp.float32) * T_MAX
    yt = jax.random.uniform(ks[1], (BATCH,), dtype=jnp.float32) * T_MAX
    yt = jnp.minimum(yt, xt)  # y is history: y_time <= x_time
    xi = jax.random.randint(ks[2], (BATCH,), 0, N_NODE)
    yi = jax.random.randint(ks[3], (BATCH,), 0, N_NODE)
    x = jnp.stack([xt, xi.astype(jnp.float32)], axis=1)
    y = jnp.stack([yt, yi.astype(jnp.float32)], axis=1)
    B = jnp.asarray(_build_filters())
    mask_B = (B != 0.0).astype(jnp.float32)
    weights = jax.random.uniform(ks[4], (N_T, N_LOC), dtype=jnp.float32, minval=-1.0, maxval=1.0)
    sigmas = jnp.linspace(1.0, 20.0, N_T).astype(jnp.float32)  # time-basis bandwidths
    return {"x": x, "y": y, "xi": xi, "yi": yi, "B": B, "mask_B": mask_B,
            "weights": weights, "sigmas": sigmas}


def reference(x, y, xi, yi, B, mask_B, weights, sigmas):
    # time kernels: one Gaussian time basis per sigma -> K_t [N_T, BATCH]
    dt = x[:, 0] - y[:, 0]
    K_t = jnp.exp(-(dt[None, :] ** 2) / (2.0 * (sigmas[:, None] ** 2)))
    mask = dt <= TAU_MAX  # [BATCH]
    # graph local filter basis: gather B_eff[y_node, x_node] per Chebyshev order
    B_eff = B * mask_B  # [N_LOC, N, N] (get_filter())
    gathered = B_eff[:, yi, xi]  # [N_LOC, BATCH]
    K_l = jnp.where(mask[None, :], gathered, 0.0)  # zeros outside tau_max window
    # K = sum over bases of weight[i,j] * K_t[i] * K_l[j]
    K3 = jnp.einsum('il,jl->ijl', K_t, K_l)       # [N_T, N_LOC, BATCH]
    Kp = jnp.transpose(K3, (2, 1, 0))             # [BATCH, N_LOC, N_T]
    K = (Kp * weights.T[None, :, :]).sum((-1, -2))  # [BATCH]
    return K

if __name__ == "__main__":
    import jax
    _d = setup_inputs()
    print(jax.jit(kernel)(*tuple(_d.values())))

</pallas_src>

<mosaic_0001>
#map = affine_map<(d0, d1) -> (0)>
#map1 = affine_map<(d0, d1) -> (0, 0)>
module attributes {stable_mosaic.version = 14 : i64} {
  func.func @_sc_cheb_filter(%arg0: i32, %arg1: i32, %arg2: memref<50331648xf32, #tpu.memory_space<hbm>>, %arg3: memref<65536xf32, #tpu.memory_space<hbm>>, %arg4: memref<65536xi32, #tpu.memory_space<hbm>>, %arg5: memref<65536xi32, #tpu.memory_space<hbm>>, %arg6: memref<16x16xf32, #tpu.memory_space<hbm>>, %arg7: memref<65536xf32, #tpu.memory_space<hbm>>, %arg8: memref<2048xf32, #tpu.memory_space<vmem>>, %arg9: memref<2048xi32, #tpu.memory_space<vmem>>, %arg10: memref<2048xi32, #tpu.memory_space<vmem>>, %arg11: memref<6144xi32, #tpu.memory_space<vmem>>, %arg12: memref<6144xf32, #tpu.memory_space<vmem>>, %arg13: memref<2048xf32, #tpu.memory_space<vmem>>, %arg14: memref<16x16xf32, #tpu.memory_space<vmem>>, %arg15: memref<!tpu.dma_semaphore, #tpu.memory_space<semaphore_mem>>, %arg16: memref<!tpu.dma_semaphore, #tpu.memory_space<semaphore_mem>>, %arg17: memref<!tpu.dma_semaphore, #tpu.memory_space<semaphore_mem>>, %arg18: memref<!tpu.dma_semaphore, #tpu.memory_space<semaphore_mem>>, %arg19: memref<!tpu.dma_semaphore, #tpu.memory_space<semaphore_mem>>, %arg20: memref<!tpu.dma_semaphore, #tpu.memory_space<semaphore_mem>>, %arg21: memref<!tpu.dma_semaphore, #tpu.memory_space<semaphore_mem>>, %arg22: memref<!tpu.dma_semaphore, #tpu.memory_space<semaphore_mem>>) attributes {dimension_semantics = [#tpu.dimension_semantics<core_parallel>, #tpu.dimension_semantics<subcore_parallel>], iteration_bounds = array<i64: 2, 16>, scalar_prefetch = 0 : i64, scratch_operands = 15 : i64, tpu.core_type = #tpu.core_type<sc_vector_subcore>, window_params = [{transform_indices = #map}, {transform_indices = #map}, {transform_indices = #map}, {transform_indices = #map}, {transform_indices = #map1}, {transform_indices = #map}]} {
    %mul3A = arith.constant 2 : i32
    %mul3A_0 = arith.muli %arg1, %mul3A : i32
    %add3A = arith.addi %mul3A_0, %arg0 : i32
    %mul3A_1 = arith.constant 2048 : i32
    %mul3A_2 = arith.muli %add3A, %mul3A_1 : i32
    %dma_start3A = tpu.memref_slice %arg3[%mul3A_2] : memref<65536xf32, #tpu.memory_space<hbm>> -> memref<2048xf32, #tpu.memory_space<hbm>>
    %dma_start3A_3 = tpu.memref_slice %arg3[%mul3A_2] : memref<65536xf32, #tpu.memory_space<hbm>> -> memref<2048xf32, #tpu.memory_space<hbm>>
    tpu.enqueue_dma source(%dma_start3A_3 : memref<2048xf32, #tpu.memory_space<hbm>>) target(%arg8 : memref<2048xf32, #tpu.memory_space<vmem>>) target_semaphore(%arg15 : memref<!tpu.dma_semaphore, #tpu.memory_space<semaphore_mem>>)
    %dma_start3A_4 = tpu.memref_slice %arg4[%mul3A_2] : memref<65536xi32, #tpu.memory_space<hbm>> -> memref<2048xi32, #tpu.memory_space<hbm>>
    %dma_start3A_5 = tpu.memref_slice %arg4[%mul3A_2] : memref<65536xi32, #tpu.memory_space<hbm>> -> memref<2048xi32, #tpu.memory_space<hbm>>
    tpu.enqueue_dma source(%dma_start3A_5 : memref<2048xi32, #tpu.memory_space<hbm>>) target(%arg9 : memref<2048xi32, #tpu.memory_space<vmem>>) target_semaphore(%arg16 : memref<!tpu.dma_semaphore, #tpu.memory_space<semaphore_mem>>)
    %dma_start3A_6 = tpu.memref_slice %arg5[%mul3A_2] : memref<65536xi32, #tpu.memory_space<hbm>> -> memref<2048xi32, #tpu.memory_space<hbm>>
    %dma_start3A_7 = tpu.memref_slice %arg5[%mul3A_2] : memref<65536xi32, #tpu.memory_space<hbm>> -> memref<2048xi32, #tpu.memory_space<hbm>>
    tpu.enqueue_dma source(%dma_start3A_7 : memref<2048xi32, #tpu.memory_space<hbm>>) target(%arg10 : memref<2048xi32, #tpu.memory_space<vmem>>) target_semaphore(%arg17 : memref<!tpu.dma_semaphore, #tpu.memory_space<semaphore_mem>>)
    tpu.enqueue_dma source(%arg6 : memref<16x16xf32, #tpu.memory_space<hbm>>) target(%arg14 : memref<16x16xf32, #tpu.memory_space<vmem>>) target_semaphore(%arg18 : memref<!tpu.dma_semaphore, #tpu.memory_space<semaphore_mem>>)
    %dma_wait3A = tpu.memref_slice %arg4[%mul3A_2] : memref<65536xi32, #tpu.memory_space<hbm>> -> memref<2048xi32, #tpu.memory_space<hbm>>
    %dma_wait3A_8 = tpu.memref_slice %arg4[%mul3A_2] : memref<65536xi32, #tpu.memory_space<hbm>> -> memref<2048xi32, #tpu.memory_space<hbm>>
    tpu.wait_dma2 semaphore(%arg16 : memref<!tpu.dma_semaphore, #tpu.memory_space<semaphore_mem>>) src(%dma_wait3A_8 : memref<2048xi32, #tpu.memory_space<hbm>>) dst(%arg9 : memref<2048xi32, #tpu.memory_space<vmem>>)
    %dma_wait3A_9 = tpu.memref_slice %arg5[%mul3A_2] : memref<65536xi32, #tpu.memory_space<hbm>> -> memref<2048xi32, #tpu.memory_space<hbm>>
    %dma_wait3A_10 = tpu.memref_slice %arg5[%mul3A_2] : memref<65536xi32, #tpu.memory_space<hbm>> -> memref<2048xi32, #tpu.memory_space<hbm>>
    tpu.wait_dma2 semaphore(%arg17 : memref<!tpu.dma_semaphore, #tpu.memory_space<semaphore_mem>>) src(%dma_wait3A_10 : memref<2048xi32, #tpu.memory_space<hbm>>) dst(%arg10 : memref<2048xi32, #tpu.memory_space<vmem>>)
    %parallel_loop3A = arith.constant 0 : i32
    %parallel_loop3A_11 = arith.constant 32 : i32
    %parallel_loop3A_12 = arith.constant 1 : i32
    scf.for %parallel_loop3A_190 = %parallel_loop3A to %parallel_loop3A_11 step %parallel_loop3A_12  : i32 {
      %parallel_loop3A_191 = arith.constant 16 : i32
      %parallel_loop3A_192 = arith.muli %parallel_loop3A_190, %parallel_loop3A_191 : i32
      %parallel_loop3A_193 = arith.constant 0 : i32
      %parallel_loop3A_194 = arith.addi %parallel_loop3A_193, %parallel_loop3A_192 : i32
      %parallel_loop3A_195 = arith.index_cast %parallel_loop3A_194 : i32 to index
      %parallel_loop3A_196 = tpu.vector_load %arg10[%parallel_loop3A_195] {strides = array<i32>} : memref<2048xi32, #tpu.memory_space<vmem>>, vector<16xi32>,
      %parallel_loop3A_197 = vector.shape_cast %parallel_loop3A_196 : vector<16xi32> to vector<16xi32>
      %parallel_loop3A_198 = arith.index_cast %parallel_loop3A_194 : i32 to index
      %parallel_loop3A_199 = tpu.vector_load %arg9[%parallel_loop3A_198] {strides = array<i32>} : memref<2048xi32, #tpu.memory_space<vmem>>, vector<16xi32>,
      %parallel_loop3A_200 = vector.shape_cast %parallel_loop3A_199 : vector<16xi32> to vector<16xi32>
      %parallel_loop3A_201 = arith.constant 3 : i32
      %parallel_loop3A_202 = vector.broadcast %parallel_loop3A_201 : i32 to vector<16xi32>
      %parallel_loop3A_203 = arith.shrsi %parallel_loop3A_197, %parallel_loop3A_202 : vector<16xi32>
      %parallel_loop3A_204 = arith.constant 15 : i32
      %parallel_loop3A_205 = vector.broadcast %parallel_loop3A_204 : i32 to vector<16xi32>
      %parallel_loop3A_206 = arith.shli %parallel_loop3A_203, %parallel_loop3A_205 : vector<16xi32>
      %parallel_loop3A_207 = arith.constant 7 : i32
      %parallel_loop3A_208 = vector.broadcast %parallel_loop3A_207 : i32 to vector<16xi32>
      %parallel_loop3A_209 = arith.shrsi %parallel_loop3A_200, %parallel_loop3A_208 : vector<16xi32>
      %parallel_loop3A_210 = arith.constant 10 : i32
      %parallel_loop3A_211 = vector.broadcast %parallel_loop3A_210 : i32 to vector<16xi32>
      %parallel_loop3A_212 = arith.shli %parallel_loop3A_209, %parallel_loop3A_211 : vector<16xi32>
      %parallel_loop3A_213 = arith.addi %parallel_loop3A_206, %parallel_loop3A_212 : vector<16xi32>
      %parallel_loop3A_214 = arith.constant 7 : i32
      %parallel_loop3A_215 = vector.broadcast %parallel_loop3A_214 : i32 to vector<16xi32>
      %parallel_loop3A_216 = arith.andi %parallel_loop3A_197, %parallel_loop3A_215 : vector<16xi32>
      %parallel_loop3A_217 = arith.constant 7 : i32
      %parallel_loop3A_218 = vector.broadcast %parallel_loop3A_217 : i32 to vector<16xi32>
      %parallel_loop3A_219 = arith.shli %parallel_loop3A_216, %parallel_loop3A_218 : vector<16xi32>
      %parallel_loop3A_220 = arith.addi %parallel_loop3A_213, %parallel_loop3A_219 : vector<16xi32>
      %parallel_loop3A_221 = arith.constant 127 : i32
      %parallel_loop3A_222 = vector.broadcast %parallel_loop3A_221 : i32 to vector<16xi32>
      %parallel_loop3A_223 = arith.andi %parallel_loop3A_200, %parallel_loop3A_222 : vector<16xi32>
      %parallel_loop3A_224 = arith.addi %parallel_loop3A_220, %parallel_loop3A_223 : vector<16xi32>
      %parallel_loop3A_225 = arith.constant 16 : i32
      %parallel_loop3A_226 = arith.muli %parallel_loop3A_190, %parallel_loop3A_225 : i32
      %parallel_loop3A_227 = arith.constant 0 : i32
      %parallel_loop3A_228 = arith.addi %parallel_loop3A_227, %parallel_loop3A_226 : i32
      %parallel_loop3A_229 = arith.index_cast %parallel_loop3A_228 : i32 to index
      %parallel_loop3A_230 = tpu.vector_load %arg11[%parallel_loop3A_229] {strides = array<i32>} : memref<6144xi32, #tpu.memory_space<vmem>>, vector<16xi32>,
      %parallel_loop3A_231 = vector.shape_cast %parallel_loop3A_230 : vector<16xi32> to vector<16xi32>
      %parallel_loop3A_232 = vector.shape_cast %parallel_loop3A_224 : vector<16xi32> to vector<16xi32>
      tpu.vector_store %arg11[%parallel_loop3A_229], %parallel_loop3A_232 {strides = array<i32>} : memref<6144xi32, #tpu.memory_space<vmem>>, vector<16xi32>,
      %parallel_loop3A_233 = arith.constant 16777216 : i32
      %parallel_loop3A_234 = vector.broadcast %parallel_loop3A_233 : i32 to vector<16xi32>
      %parallel_loop3A_235 = arith.addi %parallel_loop3A_224, %parallel_loop3A_234 : vector<16xi32>
      %parallel_loop3A_236 = arith.constant 16 : i32
      %parallel_loop3A_237 = arith.muli %parallel_loop3A_190, %parallel_loop3A_236 : i32
      %parallel_loop3A_238 = arith.constant 512 : i32
      %parallel_loop3A_239 = arith.addi %parallel_loop3A_238, %parallel_loop3A_237 : i32
      %parallel_loop3A_240 = arith.index_cast %parallel_loop3A_239 : i32 to index
      %parallel_loop3A_241 = tpu.vector_load %arg11[%parallel_loop3A_240] {strides = array<i32>} : memref<6144xi32, #tpu.memory_space<vmem>>, vector<16xi32>,
      %parallel_loop3A_242 = vector.shape_cast %parallel_loop3A_241 : vector<16xi32> to vector<16xi32>
      %parallel_loop3A_243 = vector.shape_cast %parallel_loop3A_235 : vector<16xi32> to vector<16xi32>
      tpu.vector_store %arg11[%parallel_loop3A_240], %parallel_loop3A_243 {strides = array<i32>} : memref<6144xi32, #tpu.memory_space<vmem>>, vector<16xi32>,
      %parallel_loop3A_244 = arith.constant 33554432 : i32
      %parallel_loop3A_245 = vector.broadcast %parallel_loop3A_244 : i32 to vector<16xi32>
      %parallel_loop3A_246 = arith.addi %parallel_loop3A_224, %parallel_loop3A_245 : vector<16xi32>
      %parallel_loop3A_247 = arith.constant 16 : i32
      %parallel_loop3A_248 = arith.muli %parallel_loop3A_190, %parallel_loop3A_247 : i32
      %parallel_loop3A_249 = arith.constant 1024 : i32
      %parallel_loop3A_250 = arith.addi %parallel_loop3A_249, %parallel_loop3A_248 : i32
      %parallel_loop3A_251 = arith.index_cast %parallel_loop3A_250 : i32 to index
      %parallel_loop3A_252 = tpu.vector_load %arg11[%parallel_loop3A_251] {strides = array<i32>} : memref<6144xi32, #tpu.memory_space<vmem>>, vector<16xi32>,
      %parallel_loop3A_253 = vector.shape_cast %parallel_loop3A_252 : vector<16xi32> to vector<16xi32>
      %parallel_loop3A_254 = vector.shape_cast %parallel_loop3A_246 : vector<16xi32> to vector<16xi32>
      tpu.vector_store %arg11[%parallel_loop3A_251], %parallel_loop3A_254 {strides = array<i32>} : memref<6144xi32, #tpu.memory_space<vmem>>, vector<16xi32>,
    } {sc.loop_unroll_factor = 4 : i64, sc.parallel_access}
    %dma_start3A_13 = arith.constant 0 : i32
    %dma_start3A_14 = tpu.memref_slice %arg12[%dma_start3A_13] : memref<6144xf32, #tpu.memory_space<vmem>> -> memref<1536xf32, #tpu.memory_space<vmem>>
    %dma_start3A_15 = arith.constant 0 : i32
    %dma_start3A_16 = tpu.memref_slice %arg11[%dma_start3A_15] : memref<6144xi32, #tpu.memory_space<vmem>> -> memref<1536xi32, #tpu.memory_space<vmem>>
    %dma_start3A_17 = arith.constant 0 : i32
    %dma_start3A_18 = tpu.memref_slice %arg2[%dma_start3A_17] : memref<50331648xf32, #tpu.memory_space<hbm>> -> memref<50331648xf32, #tpu.memory_space<hbm>>
    tpu.enqueue_indirect_dma source(%dma_start3A_18 : memref<50331648xf32, #tpu.memory_space<hbm>>) target(%dma_start3A_14 : memref<1536xf32, #tpu.memory_space<vmem>>) offsets(%dma_start3A_16 : memref<1536xi32, #tpu.memory_space<vmem>>) semaphore(%arg19 : memref<!tpu.dma_semaphore, #tpu.memory_space<semaphore_mem>>)
    %parallel_loop3A_19 = arith.constant 0 : i32
    %parallel_loop3A_20 = arith.constant 32 : i32
    %parallel_loop3A_21 = arith.constant 1 : i32
    scf.for %parallel_loop3A_190 = %parallel_loop3A_19 to %parallel_loop3A_20 step %parallel_loop3A_21  : i32 {
      %parallel_loop3A_191 = arith.constant 16 : i32
      %parallel_loop3A_192 = arith.muli %parallel_loop3A_190, %parallel_loop3A_191 : i32
      %parallel_loop3A_193 = arith.constant 512 : i32
      %parallel_loop3A_194 = arith.addi %parallel_loop3A_193, %parallel_loop3A_192 : i32
      %parallel_loop3A_195 = arith.index_cast %parallel_loop3A_194 : i32 to index
      %parallel_loop3A_196 = tpu.vector_load %arg10[%parallel_loop3A_195] {strides = array<i32>} : memref<2048xi32, #tpu.memory_space<vmem>>, vector<16xi32>,
      %parallel_loop3A_197 = vector.shape_cast %parallel_loop3A_196 : vector<16xi32> to vector<16xi32>
      %parallel_loop3A_198 = arith.index_cast %parallel_loop3A_194 : i32 to index
      %parallel_loop3A_199 = tpu.vector_load %arg9[%parallel_loop3A_198] {strides = array<i32>} : memref<2048xi32, #tpu.memory_space<vmem>>, vector<16xi32>,
      %parallel_loop3A_200 = vector.shape_cast %parallel_loop3A_199 : vector<16xi32> to vector<16xi32>
      %parallel_loop3A_201 = arith.constant 3 : i32
      %parallel_loop3A_202 = vector.broadcast %parallel_loop3A_201 : i32 to vector<16xi32>
      %parallel_loop3A_203 = arith.shrsi %parallel_loop3A_197, %parallel_loop3A_202 : vector<16xi32>
      %parallel_loop3A_204 = arith.constant 15 : i32
      %parallel_loop3A_205 = vector.broadcast %parallel_loop3A_204 : i32 to vector<16xi32>
      %parallel_loop3A_206 = arith.shli %parallel_loop3A_203, %parallel_loop3A_205 : vector<16xi32>
      %parallel_loop3A_207 = arith.constant 7 : i32
      %parallel_loop3A_208 = vector.broadcast %parallel_loop3A_207 : i32 to vector<16xi32>
      %parallel_loop3A_209 = arith.shrsi %parallel_loop3A_200, %parallel_loop3A_208 : vector<16xi32>
      %parallel_loop3A_210 = arith.constant 10 : i32
      %parallel_loop3A_211 = vector.broadcast %parallel_loop3A_210 : i32 to vector<16xi32>
      %parallel_loop3A_212 = arith.shli %parallel_loop3A_209, %parallel_loop3A_211 : vector<16xi32>
      %parallel_loop3A_213 = arith.addi %parallel_loop3A_206, %parallel_loop3A_212 : vector<16xi32>
      %parallel_loop3A_214 = arith.constant 7 : i32
      %parallel_loop3A_215 = vector.broadcast %parallel_loop3A_214 : i32 to vector<16xi32>
      %parallel_loop3A_216 = arith.andi %parallel_loop3A_197, %parallel_loop3A_215 : vector<16xi32>
      %parallel_loop3A_217 = arith.constant 7 : i32
      %parallel_loop3A_218 = vector.broadcast %parallel_loop3A_217 : i32 to vector<16xi32>
      %parallel_loop3A_219 = arith.shli %parallel_loop3A_216, %parallel_loop3A_218 : vector<16xi32>
      %parallel_loop3A_220 = arith.addi %parallel_loop3A_213, %parallel_loop3A_219 : vector<16xi32>
      %parallel_loop3A_221 = arith.constant 127 : i32
      %parallel_loop3A_222 = vector.broadcast %parallel_loop3A_221 : i32 to vector<16xi32>
      %parallel_loop3A_223 = arith.andi %parallel_loop3A_200, %parallel_loop3A_222 : vector<16xi32>
      %parallel_loop3A_224 = arith.addi %parallel_loop3A_220, %parallel_loop3A_223 : vector<16xi32>
      %parallel_loop3A_225 = arith.constant 16 : i32
      %parallel_loop3A_226 = arith.muli %parallel_loop3A_190, %parallel_loop3A_225 : i32
      %parallel_loop3A_227 = arith.constant 1536 : i32
      %parallel_loop3A_228 = arith.addi %parallel_loop3A_227, %parallel_loop3A_226 : i32
      %parallel_loop3A_229 = arith.index_cast %parallel_loop3A_228 : i32 to index
      %parallel_loop3A_230 = tpu.vector_load %arg11[%parallel_loop3A_229] {strides = array<i32>} : memref<6144xi32, #tpu.memory_space<vmem>>, vector<16xi32>,
      %parallel_loop3A_231 = vector.shape_cast %parallel_loop3A_230 : vector<16xi32> to vector<16xi32>
      %parallel_loop3A_232 = vector.shape_cast %parallel_loop3A_224 : vector<16xi32> to vector<16xi32>
      tpu.vector_store %arg11[%parallel_loop3A_229], %parallel_loop3A_232 {strides = array<i32>} : memref<6144xi32, #tpu.memory_space<vmem>>, vector<16xi32>,
      %parallel_loop3A_233 = arith.constant 16777216 : i32
      %parallel_loop3A_234 = vector.broadcast %parallel_loop3A_233 : i32 to vector<16xi32>
      %parallel_loop3A_235 = arith.addi %parallel_loop3A_224, %parallel_loop3A_234 : vector<16xi32>
      %parallel_loop3A_236 = arith.constant 16 : i32
      %parallel_loop3A_237 = arith.muli %parallel_loop3A_190, %parallel_loop3A_236 : i32
      %parallel_loop3A_238 = arith.constant 2048 : i32
      %parallel_loop3A_239 = arith.addi %parallel_loop3A_238, %parallel_loop3A_237 : i32
      %parallel_loop3A_240 = arith.index_cast %parallel_loop3A_239 : i32 to index
      %parallel_loop3A_241 = tpu.vector_load %arg11[%parallel_loop3A_240] {strides = array<i32>} : memref<6144xi32, #tpu.memory_space<vmem>>, vector<16xi32>,
      %parallel_loop3A_242 = vector.shape_cast %parallel_loop3A_241 : vector<16xi32> to vector<16xi32>
      %parallel_loop3A_243 = vector.shape_cast %parallel_loop3A_235 : vector<16xi32> to vector<16xi32>
      tpu.vector_store %arg11[%parallel_loop3A_240], %parallel_loop3A_243 {strides = array<i32>} : memref<6144xi32, #tpu.memory_space<vmem>>, vector<16xi32>,
      %parallel_loop3A_244 = arith.constant 33554432 : i32
      %parallel_loop3A_245 = vector.broadcast %parallel_loop3A_244 : i32 to vector<16xi32>
      %parallel_loop3A_246 = arith.addi %parallel_loop3A_224, %parallel_loop3A_245 : vector<16xi32>
      %parallel_loop3A_247 = arith.constant 16 : i32
      %parallel_loop3A_248 = arith.muli %parallel_loop3A_190, %parallel_loop3A_247 : i32
      %parallel_loop3A_249 = arith.constant 2560 : i32
      %parallel_loop3A_250 = arith.addi %parallel_loop3A_249, %parallel_loop3A_248 : i32
      %parallel_loop3A_251 = arith.index_cast %parallel_loop3A_250 : i32 to index
      %parallel_loop3A_252 = tpu.vector_load %arg11[%parallel_loop3A_251] {strides = array<i32>} : memref<6144xi32, #tpu.memory_space<vmem>>, vector<16xi32>,
      %parallel_loop3A_253 = vector.shape_cast %parallel_loop3A_252 : vector<16xi32> to vector<16xi32>
      %parallel_loop3A_254 = vector.shape_cast %parallel_loop3A_246 : vector<16xi32> to vector<16xi32>
      tpu.vector_store %arg11[%parallel_loop3A_251], %parallel_loop3A_254 {strides = array<i32>} : memref<6144xi32, #tpu.memory_space<vmem>>, vector<16xi32>,
    } {sc.loop_unroll_factor = 4 : i64, sc.parallel_access}
    %dma_start3A_22 = arith.constant 1536 : i32
    %dma_start3A_23 = tpu.memref_slice %arg12[%dma_start3A_22] : memref<6144xf32, #tpu.memory_space<vmem>> -> memref<1536xf32, #tpu.memory_space<vmem>>
    %dma_start3A_24 = arith.constant 1536 : i32
    %dma_start3A_25 = tpu.memref_slice %arg11[%dma_start3A_24] : memref<6144xi32, #tpu.memory_space<vmem>> -> memref<1536xi32, #tpu.memory_space<vmem>>
    %dma_start3A_26 = arith.constant 0 : i32
    %dma_start3A_27 = tpu.memref_slice %arg2[%dma_start3A_26] : memref<50331648xf32, #tpu.memory_space<hbm>> -> memref<50331648xf32, #tpu.memory_space<hbm>>
    tpu.enqueue_indirect_dma source(%dma_start3A_27 : memref<50331648xf32, #tpu.memory_space<hbm>>) target(%dma_start3A_23 : memref<1536xf32, #tpu.memory_space<vmem>>) offsets(%dma_start3A_25 : memref<1536xi32, #tpu.memory_space<vmem>>) semaphore(%arg20 : memref<!tpu.dma_semaphore, #tpu.memory_space<semaphore_mem>>)
    %parallel_loop3A_28 = arith.constant 0 : i32
    %parallel_loop3A_29 = arith.constant 32 : i32
    %parallel_loop3A_30 = arith.constant 1 : i32
    scf.for %parallel_loop3A_190 = %parallel_loop3A_28 to %parallel_loop3A_29 step %parallel_loop3A_30  : i32 {
      %parallel_loop3A_191 = arith.constant 16 : i32
      %parallel_loop3A_192 = arith.muli %parallel_loop3A_190, %parallel_loop3A_191 : i32
      %parallel_loop3A_193 = arith.constant 1024 : i32
      %parallel_loop3A_194 = arith.addi %parallel_loop3A_193, %parallel_loop3A_192 : i32
      %parallel_loop3A_195 = arith.index_cast %parallel_loop3A_194 : i32 to index
      %parallel_loop3A_196 = tpu.vector_load %arg10[%parallel_loop3A_195] {strides = array<i32>} : memref<2048xi32, #tpu.memory_space<vmem>>, vector<16xi32>,
      %parallel_loop3A_197 = vector.shape_cast %parallel_loop3A_196 : vector<16xi32> to vector<16xi32>
      %parallel_loop3A_198 = arith.index_cast %parallel_loop3A_194 : i32 to index
      %parallel_loop3A_199 = tpu.vector_load %arg9[%parallel_loop3A_198] {strides = array<i32>} : memref<2048xi32, #tpu.memory_space<vmem>>, vector<16xi32>,
      %parallel_loop3A_200 = vector.shape_cast %parallel_loop3A_199 : vector<16xi32> to vector<16xi32>
      %parallel_loop3A_201 = arith.constant 3 : i32
      %parallel_loop3A_202 = vector.broadcast %parallel_loop3A_201 : i32 to vector<16xi32>
      %parallel_loop3A_203 = arith.shrsi %parallel_loop3A_197, %parallel_loop3A_202 : vector<16xi32>
      %parallel_loop3A_204 = arith.constant 15 : i32
      %parallel_loop3A_205 = vector.broadcast %parallel_loop3A_204 : i32 to vector<16xi32>
      %parallel_loop3A_206 = arith.shli %parallel_loop3A_203, %parallel_loop3A_205 : vector<16xi32>
      %parallel_loop3A_207 = arith.constant 7 : i32
      %parallel_loop3A_208 = vector.broadcast %parallel_loop3A_207 : i32 to vector<16xi32>
      %parallel_loop3A_209 = arith.shrsi %parallel_loop3A_200, %parallel_loop3A_208 : vector<16xi32>
      %parallel_loop3A_210 = arith.constant 10 : i32
      %parallel_loop3A_211 = vector.broadcast %parallel_loop3A_210 : i32 to vector<16xi32>
      %parallel_loop3A_212 = arith.shli %parallel_loop3A_209, %parallel_loop3A_211 : vector<16xi32>
      %parallel_loop3A_213 = arith.addi %parallel_loop3A_206, %parallel_loop3A_212 : vector<16xi32>
      %parallel_loop3A_214 = arith.constant 7 : i32
      %parallel_loop3A_215 = vector.broadcast %parallel_loop3A_214 : i32 to vector<16xi32>
      %parallel_loop3A_216 = arith.andi %parallel_loop3A_197, %parallel_loop3A_215 : vector<16xi32>
      %parallel_loop3A_217 = arith.constant 7 : i32
      %parallel_loop3A_218 = vector.broadcast %parallel_loop3A_217 : i32 to vector<16xi32>
      %parallel_loop3A_219 = arith.shli %parallel_loop3A_216, %parallel_loop3A_218 : vector<16xi32>
      %parallel_loop3A_220 = arith.addi %parallel_loop3A_213, %parallel_loop3A_219 : vector<16xi32>
      %parallel_loop3A_221 = arith.constant 127 : i32
      %parallel_loop3A_222 = vector.broadcast %parallel_loop3A_221 : i32 to vector<16xi32>
      %parallel_loop3A_223 = arith.andi %parallel_loop3A_200, %parallel_loop3A_222 : vector<16xi32>
      %parallel_loop3A_224 = arith.addi %parallel_loop3A_220, %parallel_loop3A_223 : vector<16xi32>
      %parallel_loop3A_225 = arith.constant 16 : i32
      %parallel_loop3A_226 = arith.muli %parallel_loop3A_190, %parallel_loop3A_225 : i32
      %parallel_loop3A_227 = arith.constant 3072 : i32
      %parallel_loop3A_228 = arith.addi %parallel_loop3A_227, %parallel_loop3A_226 : i32
      %parallel_loop3A_229 = arith.index_cast %parallel_loop3A_228 : i32 to index
      %parallel_loop3A_230 = tpu.vector_load %arg11[%parallel_loop3A_229] {strides = array<i32>} : memref<6144xi32, #tpu.memory_space<vmem>>, vector<16xi32>,
      %parallel_loop3A_231 = vector.shape_cast %parallel_loop3A_230 : vector<16xi32> to vector<16xi32>
      %parallel_loop3A_232 = vector.shape_cast %parallel_loop3A_224 : vector<16xi32> to vector<16xi32>
      tpu.vector_store %arg11[%parallel_loop3A_229], %parallel_loop3A_232 {strides = array<i32>} : memref<6144xi32, #tpu.memory_space<vmem>>, vector<16xi32>,
      %parallel_loop3A_233 = arith.constant 16777216 : i32
      %parallel_loop3A_234 = vector.broadcast %parallel_loop3A_233 : i32 to vector<16xi32>
      %parallel_loop3A_235 = arith.addi %parallel_loop3A_224, %parallel_loop3A_234 : vector<16xi32>
      %parallel_loop3A_236 = arith.constant 16 : i32
      %parallel_loop3A_237 = arith.muli %parallel_loop3A_190, %parallel_loop3A_236 : i32
      %parallel_loop3A_238 = arith.constant 3584 : i32
      %parallel_loop3A_239 = arith.addi %parallel_loop3A_238, %parallel_loop3A_237 : i32
      %parallel_loop3A_240 = arith.index_cast %parallel_loop3A_239 : i32 to index
      %parallel_loop3A_241 = tpu.vector_load %arg11[%parallel_loop3A_240] {strides = array<i32>} : memref<6144xi32, #tpu.memory_space<vmem>>, vector<16xi32>,
      %parallel_loop3A_242 = vector.shape_cast %parallel_loop3A_241 : vector<16xi32> to vector<16xi32>
      %parallel_loop3A_243 = vector.shape_cast %parallel_loop3A_235 : vector<16xi32> to vector<16xi32>
      tpu.vector_store %arg11[%parallel_loop3A_240], %parallel_loop3A_243 {strides = array<i32>} : memref<6144xi32, #tpu.memory_space<vmem>>, vector<16xi32>,
      %parallel_loop3A_244 = arith.constant 33554432 : i32
      %parallel_loop3A_245 = vector.broadcast %parallel_loop3A_244 : i32 to vector<16xi32>
      %parallel_loop3A_246 = arith.addi %parallel_loop3A_224, %parallel_loop3A_245 : vector<16xi32>
      %parallel_loop3A_247 = arith.constant 16 : i32
      %parallel_loop3A_248 = arith.muli %parallel_loop3A_190, %parallel_loop3A_247 : i32
      %parallel_loop3A_249 = arith.constant 4096 : i32
      %parallel_loop3A_250 = arith.addi %parallel_loop3A_249, %parallel_loop3A_248 : i32
      %parallel_loop3A_251 = arith.index_cast %parallel_loop3A_250 : i32 to index
      %parallel_loop3A_252 = tpu.vector_load %arg11[%parallel_loop3A_251] {strides = array<i32>} : memref<6144xi32, #tpu.memory_space<vmem>>, vector<16xi32>,
      %parallel_loop3A_253 = vector.shape_cast %parallel_loop3A_252 : vector<16xi32> to vector<16xi32>
      %parallel_loop3A_254 = vector.shape_cast %parallel_loop3A_246 : vector<16xi32> to vector<16xi32>
      tpu.vector_store %arg11[%parallel_loop3A_251], %parallel_loop3A_254 {strides = array<i32>} : memref<6144xi32, #tpu.memory_space<vmem>>, vector<16xi32>,
    } {sc.loop_unroll_factor = 4 : i64, sc.parallel_access}
    %dma_start3A_31 = arith.constant 3072 : i32
    %dma_start3A_32 = tpu.memref_slice %arg12[%dma_start3A_31] : memref<6144xf32, #tpu.memory_space<vmem>> -> memref<1536xf32, #tpu.memory_space<vmem>>
    %dma_start3A_33 = arith.constant 3072 : i32
    %dma_start3A_34 = tpu.memref_slice %arg11[%dma_start3A_33] : memref<6144xi32, #tpu.memory_space<vmem>> -> memref<1536xi32, #tpu.memory_space<vmem>>
    %dma_start3A_35 = arith.constant 0 : i32
    %dma_start3A_36 = tpu.memref_slice %arg2[%dma_start3A_35] : memref<50331648xf32, #tpu.memory_space<hbm>> -> memref<50331648xf32, #tpu.memory_space<hbm>>
    tpu.enqueue_indirect_dma source(%dma_start3A_36 : memref<50331648xf32, #tpu.memory_space<hbm>>) target(%dma_start3A_32 : memref<1536xf32, #tpu.memory_space<vmem>>) offsets(%dma_start3A_34 : memref<1536xi32, #tpu.memory_space<vmem>>) semaphore(%arg21 : memref<!tpu.dma_semaphore, #tpu.memory_space<semaphore_mem>>)
    %parallel_loop3A_37 = arith.constant 0 : i32
    %parallel_loop3A_38 = arith.constant 32 : i32
    %parallel_loop3A_39 = arith.constant 1 : i32
    scf.for %parallel_loop3A_190 = %parallel_loop3A_37 to %parallel_loop3A_38 step %parallel_loop3A_39  : i32 {
      %parallel_loop3A_191 = arith.constant 16 : i32
      %parallel_loop3A_192 = arith.muli %parallel_loop3A_190, %parallel_loop3A_191 : i32
      %parallel_loop3A_193 = arith.constant 1536 : i32
      %parallel_loop3A_194 = arith.addi %parallel_loop3A_193, %parallel_loop3A_192 : i32
      %parallel_loop3A_195 = arith.index_cast %parallel_loop3A_194 : i32 to index
      %parallel_loop3A_196 = tpu.vector_load %arg10[%parallel_loop3A_195] {strides = array<i32>} : memref<2048xi32, #tpu.memory_space<vmem>>, vector<16xi32>,
      %parallel_loop3A_197 = vector.shape_cast %parallel_loop3A_196 : vector<16xi32> to vector<16xi32>
      %parallel_loop3A_198 = arith.index_cast %parallel_loop3A_194 : i32 to index
      %parallel_loop3A_199 = tpu.vector_load %arg9[%parallel_loop3A_198] {strides = array<i32>} : memref<2048xi32, #tpu.memory_space<vmem>>, vector<16xi32>,
      %parallel_loop3A_200 = vector.shape_cast %parallel_loop3A_199 : vector<16xi32> to vector<16xi32>
      %parallel_loop3A_201 = arith.constant 3 : i32
      %parallel_loop3A_202 = vector.broadcast %parallel_loop3A_201 : i32 to vector<16xi32>
      %parallel_loop3A_203 = arith.shrsi %parallel_loop3A_197, %parallel_loop3A_202 : vector<16xi32>
      %parallel_loop3A_204 = arith.constant 15 : i32
      %parallel_loop3A_205 = vector.broadcast %parallel_loop3A_204 : i32 to vector<16xi32>
      %parallel_loop3A_206 = arith.shli %parallel_loop3A_203, %parallel_loop3A_205 : vector<16xi32>
      %parallel_loop3A_207 = arith.constant 7 : i32
      %parallel_loop3A_208 = vector.broadcast %parallel_loop3A_207 : i32 to vector<16xi32>
      %parallel_loop3A_209 = arith.shrsi %parallel_loop3A_200, %parallel_loop3A_208 : vector<16xi32>
      %parallel_loop3A_210 = arith.constant 10 : i32
      %parallel_loop3A_211 = vector.broadcast %parallel_loop3A_210 : i32 to vector<16xi32>
      %parallel_loop3A_212 = arith.shli %parallel_loop3A_209, %parallel_loop3A_211 : vector<16xi32>
      %parallel_loop3A_213 = arith.addi %parallel_loop3A_206, %parallel_loop3A_212 : vector<16xi32>
      %parallel_loop3A_214 = arith.constant 7 : i32
      %parallel_loop3A_215 = vector.broadcast %parallel_loop3A_214 : i32 to vector<16xi32>
      %parallel_loop3A_216 = arith.andi %parallel_loop3A_197, %parallel_loop3A_215 : vector<16xi32>
      %parallel_loop3A_217 = arith.constant 7 : i32
      %parallel_loop3A_218 = vector.broadcast %parallel_loop3A_217 : i32 to vector<16xi32>
      %parallel_loop3A_219 = arith.shli %parallel_loop3A_216, %parallel_loop3A_218 : vector<16xi32>
      %parallel_loop3A_220 = arith.addi %parallel_loop3A_213, %parallel_loop3A_219 : vector<16xi32>
      %parallel_loop3A_221 = arith.constant 127 : i32
      %parallel_loop3A_222 = vector.broadcast %parallel_loop3A_221 : i32 to vector<16xi32>
      %parallel_loop3A_223 = arith.andi %parallel_loop3A_200, %parallel_loop3A_222 : vector<16xi32>
      %parallel_loop3A_224 = arith.addi %parallel_loop3A_220, %parallel_loop3A_223 : vector<16xi32>
      %parallel_loop3A_225 = arith.constant 16 : i32
      %parallel_loop3A_226 = arith.muli %parallel_loop3A_190, %parallel_loop3A_225 : i32
      %parallel_loop3A_227 = arith.constant 4608 : i32
      %parallel_loop3A_228 = arith.addi %parallel_loop3A_227, %parallel_loop3A_226 : i32
      %parallel_loop3A_229 = arith.index_cast %parallel_loop3A_228 : i32 to index
      %parallel_loop3A_230 = tpu.vector_load %arg11[%parallel_loop3A_229] {strides = array<i32>} : memref<6144xi32, #tpu.memory_space<vmem>>, vector<16xi32>,
      %parallel_loop3A_231 = vector.shape_cast %parallel_loop3A_230 : vector<16xi32> to vector<16xi32>
      %parallel_loop3A_232 = vector.shape_cast %parallel_loop3A_224 : vector<16xi32> to vector<16xi32>
      tpu.vector_store %arg11[%parallel_loop3A_229], %parallel_loop3A_232 {strides = array<i32>} : memref<6144xi32, #tpu.memory_space<vmem>>, vector<16xi32>,
      %parallel_loop3A_233 = arith.constant 16777216 : i32
      %parallel_loop3A_234 = vector.broadcast %parallel_loop3A_233 : i32 to vector<16xi32>
      %parallel_loop3A_235 = arith.addi %parallel_loop3A_224, %parallel_loop3A_234 : vector<16xi32>
      %parallel_loop3A_236 = arith.constant 16 : i32
      %parallel_loop3A_237 = arith.muli %parallel_loop3A_190, %parallel_loop3A_236 : i32
      %parallel_loop3A_238 = arith.constant 5120 : i32
      %parallel_loop3A_239 = arith.addi %parallel_loop3A_238, %parallel_loop3A_237 : i32
      %parallel_loop3A_240 = arith.index_cast %parallel_loop3A_239 : i32 to index
      %parallel_loop3A_241 = tpu.vector_load %arg11[%parallel_loop3A_240] {strides = array<i32>} : memref<6144xi32, #tpu.memory_space<vmem>>, vector<16xi32>,
      %parallel_loop3A_242 = vector.shape_cast %parallel_loop3A_241 : vector<16xi32> to vector<16xi32>
      %parallel_loop3A_243 = vector.shape_cast %parallel_loop3A_235 : vector<16xi32> to vector<16xi32>
      tpu.vector_store %arg11[%parallel_loop3A_240], %parallel_loop3A_243 {strides = array<i32>} : memref<6144xi32, #tpu.memory_space<vmem>>, vector<16xi32>,
      %parallel_loop3A_244 = arith.constant 33554432 : i32
      %parallel_loop3A_245 = vector.broadcast %parallel_loop3A_244 : i32 to vector<16xi32>
      %parallel_loop3A_246 = arith.addi %parallel_loop3A_224, %parallel_loop3A_245 : vector<16xi32>
      %parallel_loop3A_247 = arith.constant 16 : i32
      %parallel_loop3A_248 = arith.muli %parallel_loop3A_190, %parallel_loop3A_247 : i32
      %parallel_loop3A_249 = arith.constant 5632 : i32
      %parallel_loop3A_250 = arith.addi %parallel_loop3A_249, %parallel_loop3A_248 : i32
      %parallel_loop3A_251 = arith.index_cast %parallel_loop3A_250 : i32 to index
      %parallel_loop3A_252 = tpu.vector_load %arg11[%parallel_loop3A_251] {strides = array<i32>} : memref<6144xi32, #tpu.memory_space<vmem>>, vector<16xi32>,
      %parallel_loop3A_253 = vector.shape_cast %parallel_loop3A_252 : vector<16xi32> to vector<16xi32>
      %parallel_loop3A_254 = vector.shape_cast %parallel_loop3A_246 : vector<16xi32> to vector<16xi32>
      tpu.vector_store %arg11[%parallel_loop3A_251], %parallel_loop3A_254 {strides = array<i32>} : memref<6144xi32, #tpu.memory_space<vmem>>, vector<16xi32>,
    } {sc.loop_unroll_factor = 4 : i64, sc.parallel_access}
    %dma_start3A_40 = arith.constant 4608 : i32
    %dma_start3A_41 = tpu.memref_slice %arg12[%dma_start3A_40] : memref<6144xf32, #tpu.memory_space<vmem>> -> memref<1536xf32, #tpu.memory_space<vmem>>
    %dma_start3A_42 = arith.constant 4608 : i32
    %dma_start3A_43 = tpu.memref_slice %arg11[%dma_start3A_42] : memref<6144xi32, #tpu.memory_space<vmem>> -> memref<1536xi32, #tpu.memory_space<vmem>>
    %dma_start3A_44 = arith.constant 0 : i32
    %dma_start3A_45 = tpu.memref_slice %arg2[%dma_start3A_44] : memref<50331648xf32, #tpu.memory_space<hbm>> -> memref<50331648xf32, #tpu.memory_space<hbm>>
    tpu.enqueue_indirect_dma source(%dma_start3A_45 : memref<50331648xf32, #tpu.memory_space<hbm>>) target(%dma_start3A_41 : memref<1536xf32, #tpu.memory_space<vmem>>) offsets(%dma_start3A_43 : memref<1536xi32, #tpu.memory_space<vmem>>) semaphore(%arg22 : memref<!tpu.dma_semaphore, #tpu.memory_space<semaphore_mem>>)
    %dma_wait3A_46 = tpu.memref_slice %arg3[%mul3A_2] : memref<65536xf32, #tpu.memory_space<hbm>> -> memref<2048xf32, #tpu.memory_space<hbm>>
    %dma_wait3A_47 = tpu.memref_slice %arg3[%mul3A_2] : memref<65536xf32, #tpu.memory_space<hbm>> -> memref<2048xf32, #tpu.memory_space<hbm>>
    tpu.wait_dma2 semaphore(%arg15 : memref<!tpu.dma_semaphore, #tpu.memory_space<semaphore_mem>>) src(%dma_wait3A_47 : memref<2048xf32, #tpu.memory_space<hbm>>) dst(%arg8 : memref<2048xf32, #tpu.memory_space<vmem>>)
    tpu.wait_dma2 semaphore(%arg18 : memref<!tpu.dma_semaphore, #tpu.memory_space<semaphore_mem>>) src(%arg6 : memref<16x16xf32, #tpu.memory_space<hbm>>) dst(%arg14 : memref<16x16xf32, #tpu.memory_space<vmem>>)
    %get3A = arith.constant 0 : i32
    %get3A_48 = arith.index_cast %get3A : i32 to index
    %get3A_49 = arith.constant 0 : index
    %get3A_50 = tpu.vector_load %arg14[%get3A_48, %get3A_49] {strides = array<i32>} : memref<16x16xf32, #tpu.memory_space<vmem>>, vector<1x16xf32>,
    %get3A_51 = vector.shape_cast %get3A_50 : vector<1x16xf32> to vector<16xf32>
    %get3A_52 = arith.constant 1 : i32
    %get3A_53 = arith.index_cast %get3A_52 : i32 to index
    %get3A_54 = arith.constant 0 : index
    %get3A_55 = tpu.vector_load %arg14[%get3A_53, %get3A_54] {strides = array<i32>} : memref<16x16xf32, #tpu.memory_space<vmem>>, vector<1x16xf32>,
    %get3A_56 = vector.shape_cast %get3A_55 : vector<1x16xf32> to vector<16xf32>
    %get3A_57 = arith.constant 2 : i32
    %get3A_58 = arith.index_cast %get3A_57 : i32 to index
    %get3A_59 = arith.constant 0 : index
    %get3A_60 = tpu.vector_load %arg14[%get3A_58, %get3A_59] {strides = array<i32>} : memref<16x16xf32, #tpu.memory_space<vmem>>, vector<1x16xf32>,
    %get3A_61 = vector.shape_cast %get3A_60 : vector<1x16xf32> to vector<16xf32>
    %get3A_62 = arith.constant 3 : i32
    %get3A_63 = arith.index_cast %get3A_62 : i32 to index
    %get3A_64 = arith.constant 0 : index
    %get3A_65 = tpu.vector_load %arg14[%get3A_63, %get3A_64] {strides = array<i32>} : memref<16x16xf32, #tpu.memory_space<vmem>>, vector<1x16xf32>,
    %get3A_66 = vector.shape_cast %get3A_65 : vector<1x16xf32> to vector<16xf32>
    %get3A_67 = arith.constant 4 : i32
    %get3A_68 = arith.index_cast %get3A_67 : i32 to index
    %get3A_69 = arith.constant 0 : index
    %get3A_70 = tpu.vector_load %arg14[%get3A_68, %get3A_69] {strides = array<i32>} : memref<16x16xf32, #tpu.memory_space<vmem>>, vector<1x16xf32>,
    %get3A_71 = vector.shape_cast %get3A_70 : vector<1x16xf32> to vector<16xf32>
    %get3A_72 = arith.constant 5 : i32
    %get3A_73 = arith.index_cast %get3A_72 : i32 to index
    %get3A_74 = arith.constant 0 : index
    %get3A_75 = tpu.vector_load %arg14[%get3A_73, %get3A_74] {strides = array<i32>} : memref<16x16xf32, #tpu.memory_space<vmem>>, vector<1x16xf32>,
    %get3A_76 = vector.shape_cast %get3A_75 : vector<1x16xf32> to vector<16xf32>
    %get3A_77 = arith.constant 6 : i32
    %get3A_78 = arith.index_cast %get3A_77 : i32 to index
    %get3A_79 = arith.constant 0 : index
    %get3A_80 = tpu.vector_load %arg14[%get3A_78, %get3A_79] {strides = array<i32>} : memref<16x16xf32, #tpu.memory_space<vmem>>, vector<1x16xf32>,
    %get3A_81 = vector.shape_cast %get3A_80 : vector<1x16xf32> to vector<16xf32>
    %get3A_82 = arith.constant 7 : i32
    %get3A_83 = arith.index_cast %get3A_82 : i32 to index
    %get3A_84 = arith.constant 0 : index
    %get3A_85 = tpu.vector_load %arg14[%get3A_83, %get3A_84] {strides = array<i32>} : memref<16x16xf32, #tpu.memory_space<vmem>>, vector<1x16xf32>,
    %get3A_86 = vector.shape_cast %get3A_85 : vector<1x16xf32> to vector<16xf32>
    %get3A_87 = arith.constant 8 : i32
    %get3A_88 = arith.index_cast %get3A_87 : i32 to index
    %get3A_89 = arith.constant 0 : index
    %get3A_90 = tpu.vector_load %arg14[%get3A_88, %get3A_89] {strides = array<i32>} : memref<16x16xf32, #tpu.memory_space<vmem>>, vector<1x16xf32>,
    %get3A_91 = vector.shape_cast %get3A_90 : vector<1x16xf32> to vector<16xf32>
    %get3A_92 = arith.constant 9 : i32
    %get3A_93 = arith.index_cast %get3A_92 : i32 to index
    %get3A_94 = arith.constant 0 : index
    %get3A_95 = tpu.vector_load %arg14[%get3A_93, %get3A_94] {strides = array<i32>} : memref<16x16xf32, #tpu.memory_space<vmem>>, vector<1x16xf32>,
    %get3A_96 = vector.shape_cast %get3A_95 : vector<1x16xf32> to vector<16xf32>
    %get3A_97 = arith.constant 10 : i32
    %get3A_98 = arith.index_cast %get3A_97 : i32 to index
    %get3A_99 = arith.constant 0 : index
    %get3A_100 = tpu.vector_load %arg14[%get3A_98, %get3A_99] {strides = array<i32>} : memref<16x16xf32, #tpu.memory_space<vmem>>, vector<1x16xf32>,
    %get3A_101 = vector.shape_cast %get3A_100 : vector<1x16xf32> to vector<16xf32>
    %get3A_102 = arith.constant 11 : i32
    %get3A_103 = arith.index_cast %get3A_102 : i32 to index
    %get3A_104 = arith.constant 0 : index
    %get3A_105 = tpu.vector_load %arg14[%get3A_103, %get3A_104] {strides = array<i32>} : memref<16x16xf32, #tpu.memory_space<vmem>>, vector<1x16xf32>,
    %get3A_106 = vector.shape_cast %get3A_105 : vector<1x16xf32> to vector<16xf32>
    %get3A_107 = arith.constant 12 : i32
    %get3A_108 = arith.index_cast %get3A_107 : i32 to index
    %get3A_109 = arith.constant 0 : index
    %get3A_110 = tpu.vector_load %arg14[%get3A_108, %get3A_109] {strides = array<i32>} : memref<16x16xf32, #tpu.memory_space<vmem>>, vector<1x16xf32>,
    %get3A_111 = vector.shape_cast %get3A_110 : vector<1x16xf32> to vector<16xf32>
    %mul3A_112 = arith.constant 2.000000e+00 : f32
    %mul3A_113 = vector.broadcast %mul3A_112 : f32 to vector<16xf32>
    %mul3A_114 = arith.mulf %mul3A_113, %get3A_111 : vector<16xf32>
    %mul3A_115 = arith.mulf %mul3A_114, %get3A_111 : vector<16xf32>
    %div3A = arith.constant -1.000000e+00 : f32
    %div3A_116 = vector.broadcast %div3A : f32 to vector<16xf32>
    %div3A_117 = arith.divf %div3A_116, %mul3A_115 : vector<16xf32>
    %get3A_118 = arith.constant 13 : i32
    %get3A_119 = arith.index_cast %get3A_118 : i32 to index
    %get3A_120 = arith.constant 0 : index
    %get3A_121 = tpu.vector_load %arg14[%get3A_119, %get3A_120] {strides = array<i32>} : memref<16x16xf32, #tpu.memory_space<vmem>>, vector<1x16xf32>,
    %get3A_122 = vector.shape_cast %get3A_121 : vector<1x16xf32> to vector<16xf32>
    %mul3A_123 = arith.constant 2.000000e+00 : f32
    %mul3A_124 = vector.broadcast %mul3A_123 : f32 to vector<16xf32>
    %mul3A_125 = arith.mulf %mul3A_124, %get3A_122 : vector<16xf32>
    %mul3A_126 = arith.mulf %mul3A_125, %get3A_122 : vector<16xf32>
    %div3A_127 = arith.constant -1.000000e+00 : f32
    %div3A_128 = vector.broadcast %div3A_127 : f32 to vector<16xf32>
    %div3A_129 = arith.divf %div3A_128, %mul3A_126 : vector<16xf32>
    %get3A_130 = arith.constant 14 : i32
    %get3A_131 = arith.index_cast %get3A_130 : i32 to index
    %get3A_132 = arith.constant 0 : index
    %get3A_133 = tpu.vector_load %arg14[%get3A_131, %get3A_132] {strides = array<i32>} : memref<16x16xf32, #tpu.memory_space<vmem>>, vector<1x16xf32>,
    %get3A_134 = vector.shape_cast %get3A_133 : vector<1x16xf32> to vector<16xf32>
    %mul3A_135 = arith.constant 2.000000e+00 : f32
    %mul3A_136 = vector.broadcast %mul3A_135 : f32 to vector<16xf32>
    %mul3A_137 = arith.mulf %mul3A_136, %get3A_134 : vector<16xf32>
    %mul3A_138 = arith.mulf %mul3A_137, %get3A_134 : vector<16xf32>
    %div3A_139 = arith.constant -1.000000e+00 : f32
    %div3A_140 = vector.broadcast %div3A_139 : f32 to vector<16xf32>
    %div3A_141 = arith.divf %div3A_140, %mul3A_138 : vector<16xf32>
    %get3A_142 = arith.constant 15 : i32
    %get3A_143 = arith.index_cast %get3A_142 : i32 to index
    %get3A_144 = arith.constant 0 : index
    %get3A_145 = tpu.vector_load %arg14[%get3A_143, %get3A_144] {strides = array<i32>} : memref<16x16xf32, #tpu.memory_space<vmem>>, vector<1x16xf32>,
    %get3A_146 = vector.shape_cast %get3A_145 : vector<1x16xf32> to vector<16xf32>
    %mul3A_147 = arith.constant 2.000000e+00 : f32
    %mul3A_148 = vector.broadcast %mul3A_147 : f32 to vector<16xf32>
    %mul3A_149 = arith.mulf %mul3A_148, %get3A_146 : vector<16xf32>
    %mul3A_150 = arith.mulf %mul3A_149, %get3A_146 : vector<16xf32>
    %div3A_151 = arith.constant -1.000000e+00 : f32
    %div3A_152 = vector.broadcast %div3A_151 : f32 to vector<16xf32>
    %div3A_153 = arith.divf %div3A_152, %mul3A_150 : vector<16xf32>
    %dma_wait3A_154 = arith.constant 0 : i32
    %dma_wait3A_155 = tpu.memref_slice %arg12[%dma_wait3A_154] : memref<6144xf32, #tpu.memory_space<vmem>> -> memref<1536xf32, #tpu.memory_space<vmem>>
    %dma_wait3A_156 = arith.constant 0 : i32
    %dma_wait3A_157 = tpu.memref_slice %arg11[%dma_wait3A_156] : memref<6144xi32, #tpu.memory_space<vmem>> -> memref<1536xi32, #tpu.memory_space<vmem>>
    %dma_wait3A_158 = arith.constant 0 : i32
    %dma_wait3A_159 = tpu.memref_slice %arg2[%dma_wait3A_158] : memref<50331648xf32, #tpu.memory_space<hbm>> -> memref<50331648xf32, #tpu.memory_space<hbm>>
    tpu.wait_indirect_dma semaphore(%arg19 : memref<!tpu.dma_semaphore, #tpu.memory_space<semaphore_mem>>) src(%dma_wait3A_159 : memref<50331648xf32, #tpu.memory_space<hbm>>) dst(%dma_wait3A_155 : memref<1536xf32, #tpu.memory_space<vmem>>)
    %parallel_loop3A_160 = arith.constant 0 : i32
    %parallel_loop3A_161 = arith.constant 32 : i32
    %parallel_loop3A_162 = arith.constant 1 : i32
    scf.for %parallel_loop3A_190 = %parallel_loop3A_160 to %parallel_loop3A_161 step %parallel_loop3A_162  : i32 {
      %parallel_loop3A_191 = arith.constant 16 : i32
      %parallel_loop3A_192 = arith.muli %parallel_loop3A_190, %parallel_loop3A_191 : i32
      %parallel_loop3A_193 = arith.constant 0 : i32
      %parallel_loop3A_194 = arith.addi %parallel_loop3A_193, %parallel_loop3A_192 : i32
      %parallel_loop3A_195 = arith.index_cast %parallel_loop3A_194 : i32 to index
      %parallel_loop3A_196 = tpu.vector_load %arg8[%parallel_loop3A_195] {strides = array<i32>} : memref<2048xf32, #tpu.memory_space<vmem>>, vector<16xf32>,
      %parallel_loop3A_197 = vector.shape_cast %parallel_loop3A_196 : vector<16xf32> to vector<16xf32>
      %parallel_loop3A_198 = arith.mulf %parallel_loop3A_197, %parallel_loop3A_197 : vector<16xf32>
      %parallel_loop3A_199 = arith.mulf %parallel_loop3A_198, %div3A_117 : vector<16xf32>
      %parallel_loop3A_200 = math.exp %parallel_loop3A_199 : vector<16xf32>
      %parallel_loop3A_201 = arith.mulf %parallel_loop3A_198, %div3A_129 : vector<16xf32>
      %parallel_loop3A_202 = math.exp %parallel_loop3A_201 : vector<16xf32>
      %parallel_loop3A_203 = arith.mulf %parallel_loop3A_198, %div3A_141 : vector<16xf32>
      %parallel_loop3A_204 = math.exp %parallel_loop3A_203 : vector<16xf32>
      %parallel_loop3A_205 = arith.mulf %parallel_loop3A_198, %div3A_153 : vector<16xf32>
      %parallel_loop3A_206 = math.exp %parallel_loop3A_205 : vector<16xf32>
      %parallel_loop3A_207 = arith.constant 0.000000e+00 : f32
      %parallel_loop3A_208 = vector.broadcast %parallel_loop3A_207 : f32 to vector<16xf32>
      %parallel_loop3A_209 = arith.mulf %get3A_51, %parallel_loop3A_200 : vector<16xf32>
      %parallel_loop3A_210 = arith.mulf %get3A_66, %parallel_loop3A_202 : vector<16xf32>
      %parallel_loop3A_211 = arith.addf %parallel_loop3A_209, %parallel_loop3A_210 : vector<16xf32>
      %parallel_loop3A_212 = arith.mulf %get3A_81, %parallel_loop3A_204 : vector<16xf32>
      %parallel_loop3A_213 = arith.addf %parallel_loop3A_211, %parallel_loop3A_212 : vector<16xf32>
      %parallel_loop3A_214 = arith.mulf %get3A_96, %parallel_loop3A_206 : vector<16xf32>
      %parallel_loop3A_215 = arith.addf %parallel_loop3A_213, %parallel_loop3A_214 : vector<16xf32>
      %parallel_loop3A_216 = arith.constant 16 : i32
      %parallel_loop3A_217 = arith.muli %parallel_loop3A_190, %parallel_loop3A_216 : i32
      %parallel_loop3A_218 = arith.constant 0 : i32
      %parallel_loop3A_219 = arith.addi %parallel_loop3A_218, %parallel_loop3A_217 : i32
      %parallel_loop3A_220 = arith.index_cast %parallel_loop3A_219 : i32 to index
      %parallel_loop3A_221 = tpu.vector_load %arg12[%parallel_loop3A_220] {strides = array<i32>} : memref<6144xf32, #tpu.memory_space<vmem>>, vector<16xf32>,
      %parallel_loop3A_222 = vector.shape_cast %parallel_loop3A_221 : vector<16xf32> to vector<16xf32>
      %parallel_loop3A_223 = arith.mulf %parallel_loop3A_215, %parallel_loop3A_222 : vector<16xf32>
      %parallel_loop3A_224 = arith.addf %parallel_loop3A_208, %parallel_loop3A_223 : vector<16xf32>
      %parallel_loop3A_225 = arith.mulf %get3A_56, %parallel_loop3A_200 : vector<16xf32>
      %parallel_loop3A_226 = arith.mulf %get3A_71, %parallel_loop3A_202 : vector<16xf32>
      %parallel_loop3A_227 = arith.addf %parallel_loop3A_225, %parallel_loop3A_226 : vector<16xf32>
      %parallel_loop3A_228 = arith.mulf %get3A_86, %parallel_loop3A_204 : vector<16xf32>
      %parallel_loop3A_229 = arith.addf %parallel_loop3A_227, %parallel_loop3A_228 : vector<16xf32>
      %parallel_loop3A_230 = arith.mulf %get3A_101, %parallel_loop3A_206 : vector<16xf32>
      %parallel_loop3A_231 = arith.addf %parallel_loop3A_229, %parallel_loop3A_230 : vector<16xf32>
      %parallel_loop3A_232 = arith.constant 16 : i32
      %parallel_loop3A_233 = arith.muli %parallel_loop3A_190, %parallel_loop3A_232 : i32
      %parallel_loop3A_234 = arith.constant 512 : i32
      %parallel_loop3A_235 = arith.addi %parallel_loop3A_234, %parallel_loop3A_233 : i32
      %parallel_loop3A_236 = arith.index_cast %parallel_loop3A_235 : i32 to index
      %parallel_loop3A_237 = tpu.vector_load %arg12[%parallel_loop3A_236] {strides = array<i32>} : memref<6144xf32, #tpu.memory_space<vmem>>, vector<16xf32>,
      %parallel_loop3A_238 = vector.shape_cast %parallel_loop3A_237 : vector<16xf32> to vector<16xf32>
      %parallel_loop3A_239 = arith.mulf %parallel_loop3A_231, %parallel_loop3A_238 : vector<16xf32>
      %parallel_loop3A_240 = arith.addf %parallel_loop3A_224, %parallel_loop3A_239 : vector<16xf32>
      %parallel_loop3A_241 = arith.mulf %get3A_61, %parallel_loop3A_200 : vector<16xf32>
      %parallel_loop3A_242 = arith.mulf %get3A_76, %parallel_loop3A_202 : vector<16xf32>
      %parallel_loop3A_243 = arith.addf %parallel_loop3A_241, %parallel_loop3A_242 : vector<16xf32>
      %parallel_loop3A_244 = arith.mulf %get3A_91, %parallel_loop3A_204 : vector<16xf32>
      %parallel_loop3A_245 = arith.addf %parallel_loop3A_243, %parallel_loop3A_244 : vector<16xf32>
      %parallel_loop3A_246 = arith.mulf %get3A_106, %parallel_loop3A_206 : vector<16xf32>
      %parallel_loop3A_247 = arith.addf %parallel_loop3A_245, %parallel_loop3A_246 : vector<16xf32>
      %parallel_loop3A_248 = arith.constant 16 : i32
      %parallel_loop3A_249 = arith.muli %parallel_loop3A_190, %parallel_loop3A_248 : i32
      %parallel_loop3A_250 = arith.constant 1024 : i32
      %parallel_loop3A_251 = arith.addi %parallel_loop3A_250, %parallel_loop3A_249 : i32
      %parallel_loop3A_252 = arith.index_cast %parallel_loop3A_251 : i32 to index
      %parallel_loop3A_253 = tpu.vector_load %arg12[%parallel_loop3A_252] {strides = array<i32>} : memref<6144xf32, #tpu.memory_space<vmem>>, vector<16xf32>,
      %parallel_loop3A_254 = vector.shape_cast %parallel_loop3A_253 : vector<16xf32> to vector<16xf32>
      %parallel_loop3A_255 = arith.mulf %parallel_loop3A_247, %parallel_loop3A_254 : vector<16xf32>
      %parallel_loop3A_256 = arith.addf %parallel_loop3A_240, %parallel_loop3A_255 : vector<16xf32>
      %parallel_loop3A_257 = arith.constant 5.000000e+01 : f32
      %parallel_loop3A_258 = vector.broadcast %parallel_loop3A_257 : f32 to vector<16xf32>
      %parallel_loop3A_259 = arith.cmpf ole, %parallel_loop3A_197, %parallel_loop3A_258 : vector<16xf32>
      %parallel_loop3A_260 = arith.constant 0.000000e+00 : f32
      %parallel_loop3A_261 = vector.broadcast %parallel_loop3A_260 : f32 to vector<16xf32>
      %parallel_loop3A_262 = arith.select %parallel_loop3A_259, %parallel_loop3A_256, %parallel_loop3A_261 : vector<16xi1>, vector<16xf32>
      %parallel_loop3A_263 = arith.index_cast %parallel_loop3A_194 : i32 to index
      %parallel_loop3A_264 = tpu.vector_load %arg13[%parallel_loop3A_263] {strides = array<i32>} : memref<2048xf32, #tpu.memory_space<vmem>>, vector<16xf32>,
      %parallel_loop3A_265 = vector.shape_cast %parallel_loop3A_264 : vector<16xf32> to vector<16xf32>
      %parallel_loop3A_266 = vector.shape_cast %parallel_loop3A_262 : vector<16xf32> to vector<16xf32>
      tpu.vector_store %arg13[%parallel_loop3A_263], %parallel_loop3A_266 {strides = array<i32>} : memref<2048xf32, #tpu.memory_space<vmem>>, vector<16xf32>,
    } {sc.loop_unroll_factor = 2 : i64, sc.parallel_access}
    %dma_wait3A_163 = arith.constant 1536 : i32
    %dma_wait3A_164 = tpu.memref_slice %arg12[%dma_wait3A_163] : memref<6144xf32, #tpu.memory_space<vmem>> -> memref<1536xf32, #tpu.memory_space<vmem>>
    %dma_wait3A_165 = arith.constant 1536 : i32
    %dma_wait3A_166 = tpu.memref_slice %arg11[%dma_wait3A_165] : memref<6144xi32, #tpu.memory_space<vmem>> -> memref<1536xi32, #tpu.memory_space<vmem>>
    %dma_wait3A_167 = arith.constant 0 : i32
    %dma_wait3A_168 = tpu.memref_slice %arg2[%dma_wait3A_167] : memref<50331648xf32, #tpu.memory_space<hbm>> -> memref<50331648xf32, #tpu.memory_space<hbm>>
    tpu.wait_indirect_dma semaphore(%arg20 : memref<!tpu.dma_semaphore, #tpu.memory_space<semaphore_mem>>) src(%dma_wait3A_168 : memref<50331648xf32, #tpu.memory_space<hbm>>) dst(%dma_wait3A_164 : memref<1536xf32, #tpu.memory_space<vmem>>)
    %parallel_loop3A_169 = arith.constant 0 : i32
    %parallel_loop3A_170 = arith.constant 32 : i32
    %parallel_loop3A_171 = arith.constant 1 : i32
    scf.for %parallel_loop3A_190 = %parallel_loop3A_169 to %parallel_loop3A_170 step %parallel_loop3A_171  : i32 {
      %parallel_loop3A_191 = arith.constant 16 : i32
      %parallel_loop3A_192 = arith.muli %parallel_loop3A_190, %parallel_loop3A_191 : i32
      %parallel_loop3A_193 = arith.constant 512 : i32
      %parallel_loop3A_194 = arith.addi %parallel_loop3A_193, %parallel_loop3A_192 : i32
      %parallel_loop3A_195 = arith.index_cast %parallel_loop3A_194 : i32 to index
      %parallel_loop3A_196 = tpu.vector_load %arg8[%parallel_loop3A_195] {strides = array<i32>} : memref<2048xf32, #tpu.memory_space<vmem>>, vector<16xf32>,
      %parallel_loop3A_197 = vector.shape_cast %parallel_loop3A_196 : vector<16xf32> to vector<16xf32>
      %parallel_loop3A_198 = arith.mulf %parallel_loop3A_197, %parallel_loop3A_197 : vector<16xf32>
      %parallel_loop3A_199 = arith.mulf %parallel_loop3A_198, %div3A_117 : vector<16xf32>
      %parallel_loop3A_200 = math.exp %parallel_loop3A_199 : vector<16xf32>
      %parallel_loop3A_201 = arith.mulf %parallel_loop3A_198, %div3A_129 : vector<16xf32>
      %parallel_loop3A_202 = math.exp %parallel_loop3A_201 : vector<16xf32>
      %parallel_loop3A_203 = arith.mulf %parallel_loop3A_198, %div3A_141 : vector<16xf32>
      %parallel_loop3A_204 = math.exp %parallel_loop3A_203 : vector<16xf32>
      %parallel_loop3A_205 = arith.mulf %parallel_loop3A_198, %div3A_153 : vector<16xf32>
      %parallel_loop3A_206 = math.exp %parallel_loop3A_205 : vector<16xf32>
      %parallel_loop3A_207 = arith.constant 0.000000e+00 : f32
      %parallel_loop3A_208 = vector.broadcast %parallel_loop3A_207 : f32 to vector<16xf32>
      %parallel_loop3A_209 = arith.mulf %get3A_51, %parallel_loop3A_200 : vector<16xf32>
      %parallel_loop3A_210 = arith.mulf %get3A_66, %parallel_loop3A_202 : vector<16xf32>
      %parallel_loop3A_211 = arith.addf %parallel_loop3A_209, %parallel_loop3A_210 : vector<16xf32>
      %parallel_loop3A_212 = arith.mulf %get3A_81, %parallel_loop3A_204 : vector<16xf32>
      %parallel_loop3A_213 = arith.addf %parallel_loop3A_211, %parallel_loop3A_212 : vector<16xf32>
      %parallel_loop3A_214 = arith.mulf %get3A_96, %parallel_loop3A_206 : vector<16xf32>
      %parallel_loop3A_215 = arith.addf %parallel_loop3A_213, %parallel_loop3A_214 : vector<16xf32>
      %parallel_loop3A_216 = arith.constant 16 : i32
      %parallel_loop3A_217 = arith.muli %parallel_loop3A_190, %parallel_loop3A_216 : i32
      %parallel_loop3A_218 = arith.constant 1536 : i32
      %parallel_loop3A_219 = arith.addi %parallel_loop3A_218, %parallel_loop3A_217 : i32
      %parallel_loop3A_220 = arith.index_cast %parallel_loop3A_219 : i32 to index
      %parallel_loop3A_221 = tpu.vector_load %arg12[%parallel_loop3A_220] {strides = array<i32>} : memref<6144xf32, #tpu.memory_space<vmem>>, vector<16xf32>,
      %parallel_loop3A_222 = vector.shape_cast %parallel_loop3A_221 : vector<16xf32> to vector<16xf32>
      %parallel_loop3A_223 = arith.mulf %parallel_loop3A_215, %parallel_loop3A_222 : vector<16xf32>
      %parallel_loop3A_224 = arith.addf %parallel_loop3A_208, %parallel_loop3A_223 : vector<16xf32>
      %parallel_loop3A_225 = arith.mulf %get3A_56, %parallel_loop3A_200 : vector<16xf32>
      %parallel_loop3A_226 = arith.mulf %get3A_71, %parallel_loop3A_202 : vector<16xf32>
      %parallel_loop3A_227 = arith.addf %parallel_loop3A_225, %parallel_loop3A_226 : vector<16xf32>
      %parallel_loop3A_228 = arith.mulf %get3A_86, %parallel_loop3A_204 : vector<16xf32>
      %parallel_loop3A_229 = arith.addf %parallel_loop3A_227, %parallel_loop3A_228 : vector<16xf32>
      %parallel_loop3A_230 = arith.mulf %get3A_101, %parallel_loop3A_206 : vector<16xf32>
      %parallel_loop3A_231 = arith.addf %parallel_loop3A_229, %parallel_loop3A_230 : vector<16xf32>
      %parallel_loop3A_232 = arith.constant 16 : i32
      %parallel_loop3A_233 = arith.muli %parallel_loop3A_190, %parallel_loop3A_232 : i32
      %parallel_loop3A_234 = arith.constant 2048 : i32
      %parallel_loop3A_235 = arith.addi %parallel_loop3A_234, %parallel_loop3A_233 : i32
      %parallel_loop3A_236 = arith.index_cast %parallel_loop3A_235 : i32 to index
      %parallel_loop3A_237 = tpu.vector_load %arg12[%parallel_loop3A_236] {strides = array<i32>} : memref<6144xf32, #tpu.memory_space<vmem>>, vector<16xf32>,
      %parallel_loop3A_238 = vector.shape_cast %parallel_loop3A_237 : vector<16xf32> to vector<16xf32>
      %parallel_loop3A_239 = arith.mulf %parallel_loop3A_231, %parallel_loop3A_238 : vector<16xf32>
      %parallel_loop3A_240 = arith.addf %parallel_loop3A_224, %parallel_loop3A_239 : vector<16xf32>
      %parallel_loop3A_241 = arith.mulf %get3A_61, %parallel_loop3A_200 : vector<16xf32>
      %parallel_loop3A_242 = arith.mulf %get3A_76, %parallel_loop3A_202 : vector<16xf32>
      %parallel_loop3A_243 = arith.addf %parallel_loop3A_241, %parallel_loop3A_242 : vector<16xf32>
      %parallel_loop3A_244 = arith.mulf %get3A_91, %parallel_loop3A_204 : vector<16xf32>
      %parallel_loop3A_245 = arith.addf %parallel_loop3A_243, %parallel_loop3A_244 : vector<16xf32>
      %parallel_loop3A_246 = arith.mulf %get3A_106, %parallel_loop3A_206 : vector<16xf32>
      %parallel_loop3A_247 = arith.addf %parallel_loop3A_245, %parallel_loop3A_246 : vector<16xf32>
      %parallel_loop3A_248 = arith.constant 16 : i32
      %parallel_loop3A_249 = arith.muli %parallel_loop3A_190, %parallel_loop3A_248 : i32
      %parallel_loop3A_250 = arith.constant 2560 : i32
      %parallel_loop3A_251 = arith.addi %parallel_loop3A_250, %parallel_loop3A_249 : i32
      %parallel_loop3A_252 = arith.index_cast %parallel_loop3A_251 : i32 to index
      %parallel_loop3A_253 = tpu.vector_load %arg12[%parallel_loop3A_252] {strides = array<i32>} : memref<6144xf32, #tpu.memory_space<vmem>>, vector<16xf32>,
      %parallel_loop3A_254 = vector.shape_cast %parallel_loop3A_253 : vector<16xf32> to vector<16xf32>
      %parallel_loop3A_255 = arith.mulf %parallel_loop3A_247, %parallel_loop3A_254 : vector<16xf32>
      %parallel_loop3A_256 = arith.addf %parallel_loop3A_240, %parallel_loop3A_255 : vector<16xf32>
      %parallel_loop3A_257 = arith.constant 5.000000e+01 : f32
      %parallel_loop3A_258 = vector.broadcast %parallel_loop3A_257 : f32 to vector<16xf32>
      %parallel_loop3A_259 = arith.cmpf ole, %parallel_loop3A_197, %parallel_loop3A_258 : vector<16xf32>
      %parallel_loop3A_260 = arith.constant 0.000000e+00 : f32
      %parallel_loop3A_261 = vector.broadcast %parallel_loop3A_260 : f32 to vector<16xf32>
      %parallel_loop3A_262 = arith.select %parallel_loop3A_259, %parallel_loop3A_256, %parallel_loop3A_261 : vector<16xi1>, vector<16xf32>
      %parallel_loop3A_263 = arith.index_cast %parallel_loop3A_194 : i32 to index
      %parallel_loop3A_264 = tpu.vector_load %arg13[%parallel_loop3A_263] {strides = array<i32>} : memref<2048xf32, #tpu.memory_space<vmem>>, vector<16xf32>,
      %parallel_loop3A_265 = vector.shape_cast %parallel_loop3A_264 : vector<16xf32> to vector<16xf32>
      %parallel_loop3A_266 = vector.shape_cast %parallel_loop3A_262 : vector<16xf32> to vector<16xf32>
      tpu.vector_store %arg13[%parallel_loop3A_263], %parallel_loop3A_266 {strides = array<i32>} : memref<2048xf32, #tpu.memory_space<vmem>>, vector<16xf32>,
    } {sc.loop_unroll_factor = 2 : i64, sc.parallel_access}
    %dma_wait3A_172 = arith.constant 3072 : i32
    %dma_wait3A_173 = tpu.memref_slice %arg12[%dma_wait3A_172] : memref<6144xf32, #tpu.memory_space<vmem>> -> memref<1536xf32, #tpu.memory_space<vmem>>
    %dma_wait3A_174 = arith.constant 3072 : i32
    %dma_wait3A_175 = tpu.memref_slice %arg11[%dma_wait3A_174] : memref<6144xi32, #tpu.memory_space<vmem>> -> memref<1536xi32, #tpu.memory_space<vmem>>
    %dma_wait3A_176 = arith.constant 0 : i32
    %dma_wait3A_177 = tpu.memref_slice %arg2[%dma_wait3A_176] : memref<50331648xf32, #tpu.memory_space<hbm>> -> memref<50331648xf32, #tpu.memory_space<hbm>>
    tpu.wait_indirect_dma semaphore(%arg21 : memref<!tpu.dma_semaphore, #tpu.memory_space<semaphore_mem>>) src(%dma_wait3A_177 : memref<50331648xf32, #tpu.memory_space<hbm>>) dst(%dma_wait3A_173 : memref<1536xf32, #tpu.memory_space<vmem>>)
    %parallel_loop3A_178 = arith.constant 0 : i32
    %parallel_loop3A_179 = arith.constant 32 : i32
    %parallel_loop3A_180 = arith.constant 1 : i32
    scf.for %parallel_loop3A_190 = %parallel_loop3A_178 to %parallel_loop3A_179 step %parallel_loop3A_180  : i32 {
      %parallel_loop3A_191 = arith.constant 16 : i32
      %parallel_loop3A_192 = arith.muli %parallel_loop3A_190, %parallel_loop3A_191 : i32
      %parallel_loop3A_193 = arith.constant 1024 : i32
      %parallel_loop3A_194 = arith.addi %parallel_loop3A_193, %parallel_loop3A_192 : i32
      %parallel_loop3A_195 = arith.index_cast %parallel_loop3A_194 : i32 to index
      %parallel_loop3A_196 = tpu.vector_load %arg8[%parallel_loop3A_195] {strides = array<i32>} : memref<2048xf32, #tpu.memory_space<vmem>>, vector<16xf32>,
      %parallel_loop3A_197 = vector.shape_cast %parallel_loop3A_196 : vector<16xf32> to vector<16xf32>
      %parallel_loop3A_198 = arith.mulf %parallel_loop3A_197, %parallel_loop3A_197 : vector<16xf32>
      %parallel_loop3A_199 = arith.mulf %parallel_loop3A_198, %div3A_117 : vector<16xf32>
      %parallel_loop3A_200 = math.exp %parallel_loop3A_199 : vector<16xf32>
      %parallel_loop3A_201 = arith.mulf %parallel_loop3A_198, %div3A_129 : vector<16xf32>
      %parallel_loop3A_202 = math.exp %parallel_loop3A_201 : vector<16xf32>
      %parallel_loop3A_203 = arith.mulf %parallel_loop3A_198, %div3A_141 : vector<16xf32>
      %parallel_loop3A_204 = math.exp %parallel_loop3A_203 : vector<16xf32>
      %parallel_loop3A_205 = arith.mulf %parallel_loop3A_198, %div3A_153 : vector<16xf32>
      %parallel_loop3A_206 = math.exp %parallel_loop3A_205 : vector<16xf32>
      %parallel_loop3A_207 = arith.constant 0.000000e+00 : f32
      %parallel_loop3A_208 = vector.broadcast %parallel_loop3A_207 : f32 to vector<16xf32>
      %parallel_loop3A_209 = arith.mulf %get3A_51, %parallel_loop3A_200 : vector<16xf32>
      %parallel_loop3A_210 = arith.mulf %get3A_66, %parallel_loop3A_202 : vector<16xf32>
      %parallel_loop3A_211 = arith.addf %parallel_loop3A_209, %parallel_loop3A_210 : vector<16xf32>
      %parallel_loop3A_212 = arith.mulf %get3A_81, %parallel_loop3A_204 : vector<16xf32>
      %parallel_loop3A_213 = arith.addf %parallel_loop3A_211, %parallel_loop3A_212 : vector<16xf32>
      %parallel_loop3A_214 = arith.mulf %get3A_96, %parallel_loop3A_206 : vector<16xf32>
      %parallel_loop3A_215 = arith.addf %parallel_loop3A_213, %parallel_loop3A_214 : vector<16xf32>
      %parallel_loop3A_216 = arith.constant 16 : i32
      %parallel_loop3A_217 = arith.muli %parallel_loop3A_190, %parallel_loop3A_216 : i32
      %parallel_loop3A_218 = arith.constant 3072 : i32
      %parallel_loop3A_219 = arith.addi %parallel_loop3A_218, %parallel_loop3A_217 : i32
      %parallel_loop3A_220 = arith.index_cast %parallel_loop3A_219 : i32 to index
      %parallel_loop3A_221 = tpu.vector_load %arg12[%parallel_loop3A_220] {strides = array<i32>} : memref<6144xf32, #tpu.memory_space<vmem>>, vector<16xf32>,
      %parallel_loop3A_222 = vector.shape_cast %parallel_loop3A_221 : vector<16xf32> to vector<16xf32>
      %parallel_loop3A_223 = arith.mulf %parallel_loop3A_215, %parallel_loop3A_222 : vector<16xf32>
      %parallel_loop3A_224 = arith.addf %parallel_loop3A_208, %parallel_loop3A_223 : vector<16xf32>
      %parallel_loop3A_225 = arith.mulf %get3A_56, %parallel_loop3A_200 : vector<16xf32>
      %parallel_loop3A_226 = arith.mulf %get3A_71, %parallel_loop3A_202 : vector<16xf32>
      %parallel_loop3A_227 = arith.addf %parallel_loop3A_225, %parallel_loop3A_226 : vector<16xf32>
      %parallel_loop3A_228 = arith.mulf %get3A_86, %parallel_loop3A_204 : vector<16xf32>
      %parallel_loop3A_229 = arith.addf %parallel_loop3A_227, %parallel_loop3A_228 : vector<16xf32>
      %parallel_loop3A_230 = arith.mulf %get3A_101, %parallel_loop3A_206 : vector<16xf32>
      %parallel_loop3A_231 = arith.addf %parallel_loop3A_229, %parallel_loop3A_230 : vector<16xf32>
      %parallel_loop3A_232 = arith.constant 16 : i32
      %parallel_loop3A_233 = arith.muli %parallel_loop3A_190, %parallel_loop3A_232 : i32
      %parallel_loop3A_234 = arith.constant 3584 : i32
      %parallel_loop3A_235 = arith.addi %parallel_loop3A_234, %parallel_loop3A_233 : i32
      %parallel_loop3A_236 = arith.index_cast %parallel_loop3A_235 : i32 to index
      %parallel_loop3A_237 = tpu.vector_load %arg12[%parallel_loop3A_236] {strides = array<i32>} : memref<6144xf32, #tpu.memory_space<vmem>>, vector<16xf32>,
      %parallel_loop3A_238 = vector.shape_cast %parallel_loop3A_237 : vector<16xf32> to vector<16xf32>
      %parallel_loop3A_239 = arith.mulf %parallel_loop3A_231, %parallel_loop3A_238 : vector<16xf32>
      %parallel_loop3A_240 = arith.addf %parallel_loop3A_224, %parallel_loop3A_239 : vector<16xf32>
      %parallel_loop3A_241 = arith.mulf %get3A_61, %parallel_loop3A_200 : vector<16xf32>
      %parallel_loop3A_242 = arith.mulf %get3A_76, %parallel_loop3A_202 : vector<16xf32>
      %parallel_loop3A_243 = arith.addf %parallel_loop3A_241, %parallel_loop3A_242 : vector<16xf32>
      %parallel_loop3A_244 = arith.mulf %get3A_91, %parallel_loop3A_204 : vector<16xf32>
      %parallel_loop3A_245 = arith.addf %parallel_loop3A_243, %parallel_loop3A_244 : vector<16xf32>
      %parallel_loop3A_246 = arith.mulf %get3A_106, %parallel_loop3A_206 : vector<16xf32>
      %parallel_loop3A_247 = arith.addf %parallel_loop3A_245, %parallel_loop3A_246 : vector<16xf32>
      %parallel_loop3A_248 = arith.constant 16 : i32
      %parallel_loop3A_249 = arith.muli %parallel_loop3A_190, %parallel_loop3A_248 : i32
      %parallel_loop3A_250 = arith.constant 4096 : i32
      %parallel_loop3A_251 = arith.addi %parallel_loop3A_250, %parallel_loop3A_249 : i32
      %parallel_loop3A_252 = arith.index_cast %parallel_loop3A_251 : i32 to index
      %parallel_loop3A_253 = tpu.vector_load %arg12[%parallel_loop3A_252] {strides = array<i32>} : memref<6144xf32, #tpu.memory_space<vmem>>, vector<16xf32>,
      %parallel_loop3A_254 = vector.shape_cast %parallel_loop3A_253 : vector<16xf32> to vector<16xf32>
      %parallel_loop3A_255 = arith.mulf %parallel_loop3A_247, %parallel_loop3A_254 : vector<16xf32>
      %parallel_loop3A_256 = arith.addf %parallel_loop3A_240, %parallel_loop3A_255 : vector<16xf32>
      %parallel_loop3A_257 = arith.constant 5.000000e+01 : f32
      %parallel_loop3A_258 = vector.broadcast %parallel_loop3A_257 : f32 to vector<16xf32>
      %parallel_loop3A_259 = arith.cmpf ole, %parallel_loop3A_197, %parallel_loop3A_258 : vector<16xf32>
      %parallel_loop3A_260 = arith.constant 0.000000e+00 : f32
      %parallel_loop3A_261 = vector.broadcast %parallel_loop3A_260 : f32 to vector<16xf32>
      %parallel_loop3A_262 = arith.select %parallel_loop3A_259, %parallel_loop3A_256, %parallel_loop3A_261 : vector<16xi1>, vector<16xf32>
      %parallel_loop3A_263 = arith.index_cast %parallel_loop3A_194 : i32 to index
      %parallel_loop3A_264 = tpu.vector_load %arg13[%parallel_loop3A_263] {strides = array<i32>} : memref<2048xf32, #tpu.memory_space<vmem>>, vector<16xf32>,
      %parallel_loop3A_265 = vector.shape_cast %parallel_loop3A_264 : vector<16xf32> to vector<16xf32>
      %parallel_loop3A_266 = vector.shape_cast %parallel_loop3A_262 : vector<16xf32> to vector<16xf32>
      tpu.vector_store %arg13[%parallel_loop3A_263], %parallel_loop3A_266 {strides = array<i32>} : memref<2048xf32, #tpu.memory_space<vmem>>, vector<16xf32>,
    } {sc.loop_unroll_factor = 2 : i64, sc.parallel_access}
    %dma_wait3A_181 = arith.constant 4608 : i32
    %dma_wait3A_182 = tpu.memref_slice %arg12[%dma_wait3A_181] : memref<6144xf32, #tpu.memory_space<vmem>> -> memref<1536xf32, #tpu.memory_space<vmem>>
    %dma_wait3A_183 = arith.constant 4608 : i32
    %dma_wait3A_184 = tpu.memref_slice %arg11[%dma_wait3A_183] : memref<6144xi32, #tpu.memory_space<vmem>> -> memref<1536xi32, #tpu.memory_space<vmem>>
    %dma_wait3A_185 = arith.constant 0 : i32
    %dma_wait3A_186 = tpu.memref_slice %arg2[%dma_wait3A_185] : memref<50331648xf32, #tpu.memory_space<hbm>> -> memref<50331648xf32, #tpu.memory_space<hbm>>
    tpu.wait_indirect_dma semaphore(%arg22 : memref<!tpu.dma_semaphore, #tpu.memory_space<semaphore_mem>>) src(%dma_wait3A_186 : memref<50331648xf32, #tpu.memory_space<hbm>>) dst(%dma_wait3A_182 : memref<1536xf32, #tpu.memory_space<vmem>>)
    %parallel_loop3A_187 = arith.constant 0 : i32
    %parallel_loop3A_188 = arith.constant 32 : i32
    %parallel_loop3A_189 = arith.constant 1 : i32
    scf.for %parallel_loop3A_190 = %parallel_loop3A_187 to %parallel_loop3A_188 step %parallel_loop3A_189  : i32 {
      %parallel_loop3A_191 = arith.constant 16 : i32
      %parallel_loop3A_192 = arith.muli %parallel_loop3A_190, %parallel_loop3A_191 : i32
      %parallel_loop3A_193 = arith.constant 1536 : i32
      %parallel_loop3A_194 = arith.addi %parallel_loop3A_193, %parallel_loop3A_192 : i32
      %parallel_loop3A_195 = arith.index_cast %parallel_loop3A_194 : i32 to index
      %parallel_loop3A_196 = tpu.vector_load %arg8[%parallel_loop3A_195] {strides = array<i32>} : memref<2048xf32, #tpu.memory_space<vmem>>, vector<16xf32>,
      %parallel_loop3A_197 = vector.shape_cast %parallel_loop3A_196 : vector<16xf32> to vector<16xf32>
      %parallel_loop3A_198 = arith.mulf %parallel_loop3A_197, %parallel_loop3A_197 : vector<16xf32>
      %parallel_loop3A_199 = arith.mulf %parallel_loop3A_198, %div3A_117 : vector<16xf32>
      %parallel_loop3A_200 = math.exp %parallel_loop3A_199 : vector<16xf32>
      %parallel_loop3A_201 = arith.mulf %parallel_loop3A_198, %div3A_129 : vector<16xf32>
      %parallel_loop3A_202 = math.exp %parallel_loop3A_201 : vector<16xf32>
      %parallel_loop3A_203 = arith.mulf %parallel_loop3A_198, %div3A_141 : vector<16xf32>
      %parallel_loop3A_204 = math.exp %parallel_loop3A_203 : vector<16xf32>
      %parallel_loop3A_205 = arith.mulf %parallel_loop3A_198, %div3A_153 : vector<16xf32>
      %parallel_loop3A_206 = math.exp %parallel_loop3A_205 : vector<16xf32>
      %parallel_loop3A_207 = arith.constant 0.000000e+00 : f32
      %parallel_loop3A_208 = vector.broadcast %parallel_loop3A_207 : f32 to vector<16xf32>
      %parallel_loop3A_209 = arith.mulf %get3A_51, %parallel_loop3A_200 : vector<16xf32>
      %parallel_loop3A_210 = arith.mulf %get3A_66, %parallel_loop3A_202 : vector<16xf32>
      %parallel_loop3A_211 = arith.addf %parallel_loop3A_209, %parallel_loop3A_210 : vector<16xf32>
      %parallel_loop3A_212 = arith.mulf %get3A_81, %parallel_loop3A_204 : vector<16xf32>
      %parallel_loop3A_213 = arith.addf %parallel_loop3A_211, %parallel_loop3A_212 : vector<16xf32>
      %parallel_loop3A_214 = arith.mulf %get3A_96, %parallel_loop3A_206 : vector<16xf32>
      %parallel_loop3A_215 = arith.addf %parallel_loop3A_213, %parallel_loop3A_214 : vector<16xf32>
      %parallel_loop3A_216 = arith.constant 16 : i32
      %parallel_loop3A_217 = arith.muli %parallel_loop3A_190, %parallel_loop3A_216 : i32
      %parallel_loop3A_218 = arith.constant 4608 : i32
      %parallel_loop3A_219 = arith.addi %parallel_loop3A_218, %parallel_loop3A_217 : i32
      %parallel_loop3A_220 = arith.index_cast %parallel_loop3A_219 : i32 to index
      %parallel_loop3A_221 = tpu.vector_load %arg12[%parallel_loop3A_220] {strides = array<i32>} : memref<6144xf32, #tpu.memory_space<vmem>>, vector<16xf32>,
      %parallel_loop3A_222 = vector.shape_cast %parallel_loop3A_221 : vector<16xf32> to vector<16xf32>
      %parallel_loop3A_223 = arith.mulf %parallel_loop3A_215, %parallel_loop3A_222 : vector<16xf32>
      %parallel_loop3A_224 = arith.addf %parallel_loop3A_208, %parallel_loop3A_223 : vector<16xf32>
      %parallel_loop3A_225 = arith.mulf %get3A_56, %parallel_loop3A_200 : vector<16xf32>
      %parallel_loop3A_226 = arith.mulf %get3A_71, %parallel_loop3A_202 : vector<16xf32>
      %parallel_loop3A_227 = arith.addf %parallel_loop3A_225, %parallel_loop3A_226 : vector<16xf32>
      %parallel_loop3A_228 = arith.mulf %get3A_86, %parallel_loop3A_204 : vector<16xf32>
      %parallel_loop3A_229 = arith.addf %parallel_loop3A_227, %parallel_loop3A_228 : vector<16xf32>
      %parallel_loop3A_230 = arith.mulf %get3A_101, %parallel_loop3A_206 : vector<16xf32>
      %parallel_loop3A_231 = arith.addf %parallel_loop3A_229, %parallel_loop3A_230 : vector<16xf32>
      %parallel_loop3A_232 = arith.constant 16 : i32
      %parallel_loop3A_233 = arith.muli %parallel_loop3A_190, %parallel_loop3A_232 : i32
      %parallel_loop3A_234 = arith.constant 5120 : i32
      %parallel_loop3A_235 = arith.addi %parallel_loop3A_234, %parallel_loop3A_233 : i32
      %parallel_loop3A_236 = arith.index_cast %parallel_loop3A_235 : i32 to index
      %parallel_loop3A_237 = tpu.vector_load %arg12[%parallel_loop3A_236] {strides = array<i32>} : memref<6144xf32, #tpu.memory_space<vmem>>, vector<16xf32>,
      %parallel_loop3A_238 = vector.shape_cast %parallel_loop3A_237 : vector<16xf32> to vector<16xf32>
      %parallel_loop3A_239 = arith.mulf %parallel_loop3A_231, %parallel_loop3A_238 : vector<16xf32>
      %parallel_loop3A_240 = arith.addf %parallel_loop3A_224, %parallel_loop3A_239 : vector<16xf32>
      %parallel_loop3A_241 = arith.mulf %get3A_61, %parallel_loop3A_200 : vector<16xf32>
      %parallel_loop3A_242 = arith.mulf %get3A_76, %parallel_loop3A_202 : vector<16xf32>
      %parallel_loop3A_243 = arith.addf %parallel_loop3A_241, %parallel_loop3A_242 : vector<16xf32>
      %parallel_loop3A_244 = arith.mulf %get3A_91, %parallel_loop3A_204 : vector<16xf32>
      %parallel_loop3A_245 = arith.addf %parallel_loop3A_243, %parallel_loop3A_244 : vector<16xf32>
      %parallel_loop3A_246 = arith.mulf %get3A_106, %parallel_loop3A_206 : vector<16xf32>
      %parallel_loop3A_247 = arith.addf %parallel_loop3A_245, %parallel_loop3A_246 : vector<16xf32>
      %parallel_loop3A_248 = arith.constant 16 : i32
      %parallel_loop3A_249 = arith.muli %parallel_loop3A_190, %parallel_loop3A_248 : i32
      %parallel_loop3A_250 = arith.constant 5632 : i32
      %parallel_loop3A_251 = arith.addi %parallel_loop3A_250, %parallel_loop3A_249 : i32
      %parallel_loop3A_252 = arith.index_cast %parallel_loop3A_251 : i32 to index
      %parallel_loop3A_253 = tpu.vector_load %arg12[%parallel_loop3A_252] {strides = array<i32>} : memref<6144xf32, #tpu.memory_space<vmem>>, vector<16xf32>,
      %parallel_loop3A_254 = vector.shape_cast %parallel_loop3A_253 : vector<16xf32> to vector<16xf32>
      %parallel_loop3A_255 = arith.mulf %parallel_loop3A_247, %parallel_loop3A_254 : vector<16xf32>
      %parallel_loop3A_256 = arith.addf %parallel_loop3A_240, %parallel_loop3A_255 : vector<16xf32>
      %parallel_loop3A_257 = arith.constant 5.000000e+01 : f32
      %parallel_loop3A_258 = vector.broadcast %parallel_loop3A_257 : f32 to vector<16xf32>
      %parallel_loop3A_259 = arith.cmpf ole, %parallel_loop3A_197, %parallel_loop3A_258 : vector<16xf32>
      %parallel_loop3A_260 = arith.constant 0.000000e+00 : f32
      %parallel_loop3A_261 = vector.broadcast %parallel_loop3A_260 : f32 to vector<16xf32>
      %parallel_loop3A_262 = arith.select %parallel_loop3A_259, %parallel_loop3A_256, %parallel_loop3A_261 : vector<16xi1>, vector<16xf32>
      %parallel_loop3A_263 = arith.index_cast %parallel_loop3A_194 : i32 to index
      %parallel_loop3A_264 = tpu.vector_load %arg13[%parallel_loop3A_263] {strides = array<i32>} : memref<2048xf32, #tpu.memory_space<vmem>>, vector<16xf32>,
      %parallel_loop3A_265 = vector.shape_cast %parallel_loop3A_264 : vector<16xf32> to vector<16xf32>
      %parallel_loop3A_266 = vector.shape_cast %parallel_loop3A_262 : vector<16xf32> to vector<16xf32>
      tpu.vector_store %arg13[%parallel_loop3A_263], %parallel_loop3A_266 {strides = array<i32>} : memref<2048xf32, #tpu.memory_space<vmem>>, vector<16xf32>,
    } {sc.loop_unroll_factor = 2 : i64, sc.parallel_access}
    "tpu.region"() ({
      %run_scoped3A = tpu.sem_alloc : memref<!tpu.dma_semaphore, #tpu.memory_space<semaphore_mem>>
      %dma_start3A_190 = tpu.memref_slice %arg7[%mul3A_2] : memref<65536xf32, #tpu.memory_space<hbm>> -> memref<2048xf32, #tpu.memory_space<hbm>>
      %dma_start3A_191 = tpu.memref_slice %arg7[%mul3A_2] : memref<65536xf32, #tpu.memory_space<hbm>> -> memref<2048xf32, #tpu.memory_space<hbm>>
      tpu.enqueue_dma source(%arg13 : memref<2048xf32, #tpu.memory_space<vmem>>) target(%dma_start3A_191 : memref<2048xf32, #tpu.memory_space<hbm>>) target_semaphore(%run_scoped3A : memref<!tpu.dma_semaphore, #tpu.memory_space<semaphore_mem>>)
      %dma_wait3A_192 = tpu.memref_slice %arg7[%mul3A_2] : memref<65536xf32, #tpu.memory_space<hbm>> -> memref<2048xf32, #tpu.memory_space<hbm>>
      %dma_wait3A_193 = tpu.memref_slice %arg7[%mul3A_2] : memref<65536xf32, #tpu.memory_space<hbm>> -> memref<2048xf32, #tpu.memory_space<hbm>>
      tpu.wait_dma2 semaphore(%run_scoped3A : memref<!tpu.dma_semaphore, #tpu.memory_space<semaphore_mem>>) src(%arg13 : memref<2048xf32, #tpu.memory_space<vmem>>) dst(%dma_wait3A_193 : memref<2048xf32, #tpu.memory_space<hbm>>)
      tpu.yield
    }) : () -> ()
    return
  }
}

</mosaic_0001>

<sc_bundles>
// kernel: kernel.3.cloned.1.call-start
scs
__scs_entry_jumppad:
0x0: {  	(pc) =	sbr.rel $0x88, $3  }
0x1: {  	(tag) =	ssettag $0x0;
	lr =	simm.s32 $0x1  }
0x2: {  	[smem:$0x3F9A] =	sst lr;
	_ =	strace $0xD0000000  }
0x3: {  	_ = 	snop  }
0x4: {  	_ = 	snop  }
0x5: {  	_ = 	snop  }
0x6: {  	_ = 	snop  }
0x7: {  	_ = 	snop  }
__scs_overlays_trampoline_lowered:
0x8: {  	[smem:$0x3FA9] =	sst s0  }
0x9: {  	[smem:$0x3FAA] =	sst s1  }
0xa: {  	[smem:$0x3FAB] =	sst s2  }
0xb: {  	[smem:$0x3FAC] =	sst s3  }
0xc: {  	[smem:$0x3FAD] =	sst s4  }
0xd: {  	[smem:$0x3FAE] =	sst s5  }
0xe: {  	[smem:$0x3FAF] =	sst s6  }
0xf: {  	[smem:$0x3FB0] =	sst s7  }
0x10: {  	[smem:$0x3FB1] =	sst s8  }
0x11: {  	[smem:$0x3FB2] =	sst s9;
	s0 =	simm.s32 @!p0 $0x0  }
0x12: {  	s1 =	sld [smem:$0x3F98];
	s0 =	simm.s32 @p0 $0x1  }
0x13: {  	[smem:$0x3FB3] =	sst s0;
	s0 =	simm.s32 @!p1 $0x0  }
0x14: {  	s2 =	sld [smem:$0x3F97];
	s0 =	simm.s32 @p1 $0x1  }
0x15: {  	[smem:$0x3FB4] =	sst s0;
	s0 =	simm.s32 @!p2 $0x0  }
0x16: {  	s3 =	sld [smem:$0x3FDB];
	s0 =	simm.s32 @p2 $0x1  }
0x17: {  	s4 =	simm.s32 $0x1BF5;
	[smem:$0x3FB6] =	sst s0  }
0x18: {  	s0 =	sld [smem:$0x3F99];
	_ =	swait.ge [sflag:s4], $0x0  }
0x19: {  	s7 =	sld [smem:$0x3F9A]  }
0x1a: {  	s8 =	sadd.s32 $0xFFFFE003, lr  }
0x1b: {  	s9 =	sadd.s32 $0xFFFFFEF7, lr;
	s5 =	simm.s32 $0xFFFFFFFF;
	p2 =	slt.u32 s8, $0xFFFFF086  }
0x1c: {  	p1 =	slt.u32 s9, $0xF7A;
	s5 =	simm.s32 @!p2 $0x0  }
0x1d: {  	s5 =	simm.s32 @p1 $0x1;
	p0 =	seq.s32 s7, s2  }
0x1e: {  	s7 =	smul.u32 @!p0 $0xF7A, s2;
	p2 =	seq.s32 @!p0 s5, $0x0  }
0x1f: {  	s9 =	smul.u32 $0xF7A, s1;
	s8 =	simm.s32 @!p0 $0x1BF5;
	p2 =	por !p2, p0  }
0x20: {  	[sflag:s8] =	ssyncset.s32 @!p0 $0xFFFFF086;
	s6 =	sadd.s32 @!p0 s3, s7;
	s7 =	simm.s32 @!p0 $0x108  }
0x21: {  	s3 =	sadd.s32 s3, s9;
	s6 =	sadd.s32 @!p0 $0x88, s6;
	s7 =	simm.s32 @p2 $0x1082  }
0x22: {  	[simem:s7], [sflag:s8] =	dma.local @!p0 [hbm:s6], $0xF7A  }
0x23: {  	s9 =	sor.u32 $0xD0000000, s2;
	s6 =	simm.s32 $0x108;
	_ =	swait.ge @!p0 [sflag:s8], $0x0  }
0x24: {  	s3 =	sadd.s32 $0x88, s3;
	s6 =	simm.s32 @!p1 $0x1082;
	[sflag:s4] =	ssyncset.s32 $0xFFFFF086  }
0x25: {  	[simem:s6], [sflag:s4] =	dma.local [hbm:s3], $0xF7A  }
0x26: {  	[smem:$0x3F9A] =	sst s1;
	(tag) =	ssettag s2;
	_ =	strace s9  }
0x27: {  	s1 =	sld [smem:$0x3FAA]  }
0x28: {  	s2 =	sld [smem:$0x3FAB]  }
0x29: {  	s4 =	sld [smem:$0x3FAD]  }
0x2a: {  	p0 =	seq.s32 s5, $0x0;
	s5 =	sld [smem:$0x3FAE]  }
0x2b: {  	s6 =	sld [smem:$0x3FAF]  }
0x2c: {  	s7 =	sld [smem:$0x3FB0]  }
0x2d: {  	s3 =	simm.s32 $0x108;
	s8 =	sld [smem:$0x3FB1]  }
0x2e: {  	s3 =	simm.s32 @!p0 $0x1082;
	s9 =	sld [smem:$0x3FB2]  }
0x2f: {  	lr =	sadd.s32 s0, s3;
	s0 =	sld [smem:$0x3FA9]  }
0x30: {  	s3 =	sld [smem:$0x3FAC]  }
0x31: {  	[smem:$0x3FB5] =	sst s10  }
0x32: {  	s10 =	sld [smem:$0x3FB3];
	_ =	sdelay $0x3  }
0x33: {  	p0 =	seq.s32 s10, $0x1;
	s10 =	sld [smem:$0x3FB5];
	_ =	sdelay $0x3  }
0x34: {  	[smem:$0x3FB5] =	sst s10  }
0x35: {  	s10 =	sld [smem:$0x3FB4];
	_ =	sdelay $0x3  }
0x36: {  	p1 =	seq.s32 s10, $0x1;
	s10 =	sld [smem:$0x3FB5];
	_ =	sdelay $0x3  }
0x37: {  	[smem:$0x3FB5] =	sst s10  }
0x38: {  	s10 =	sld [smem:$0x3FB6]  }
0x39: {  	_ = 	snop;
	(pc) =	sbr.ind lr, $3  }
0x3a: {  	_ = 	snop  }
0x3b: {  	_ = 	snop  }
0x3c: {  	p2 =	seq.s32 s10, $0x1;
	s10 =	sld [smem:$0x3FB5]  }
0x3d: {  	_ =	shalt  }
0x3e: {  	_ =	shalt  }
0x3f: {  	_ =	shalt  }
0x40: {  	_ =	shalt  }
0x41: {  	_ =	shalt  }
0x42: {  	_ =	shalt  }
0x43: {  	_ =	shalt  }
0x44: {  	_ =	shalt  }
0x45: {  	_ =	shalt  }
0x46: {  	_ =	shalt  }
0x47: {  	_ =	shalt  }
0x48: {  	_ =	shalt  }
0x49: {  	_ =	shalt  }
0x4a: {  	_ =	shalt  }
0x4b: {  	_ =	shalt  }
0x4c: {  	_ =	shalt  }
0x4d: {  	_ =	shalt  }
0x4e: {  	_ =	shalt  }
0x4f: {  	_ =	shalt  }
0x50: {  	_ =	shalt  }
0x51: {  	_ =	shalt  }
0x52: {  	_ =	shalt  }
0x53: {  	_ =	shalt  }
0x54: {  	_ =	shalt  }
0x55: {  	_ =	shalt  }
0x56: {  	_ =	shalt  }
0x57: {  	_ =	shalt  }
0x58: {  	_ =	shalt  }
0x59: {  	_ =	shalt  }
0x5a: {  	_ =	shalt  }
0x5b: {  	_ =	shalt  }
0x5c: {  	_ =	shalt  }
0x5d: {  	_ =	shalt  }
0x5e: {  	_ =	shalt  }
0x5f: {  	_ =	shalt  }
0x60: {  	_ =	shalt  }
0x61: {  	_ =	shalt  }
0x62: {  	_ =	shalt  }
0x63: {  	_ =	shalt  }
0x64: {  	_ =	shalt  }
0x65: {  	_ =	shalt  }
0x66: {  	_ =	shalt  }
0x67: {  	_ =	shalt  }
0x68: {  	_ =	shalt  }
0x69: {  	_ =	shalt  }
0x6a: {  	_ =	shalt  }
0x6b: {  	_ =	shalt  }
0x6c: {  	_ =	shalt  }
0x6d: {  	_ =	shalt  }
0x6e: {  	_ =	shalt  }
0x6f: {  	_ =	shalt  }
0x70: {  	_ =	shalt  }
0x71: {  	_ =	shalt  }
0x72: {  	_ =	shalt  }
0x73: {  	_ =	shalt  }
0x74: {  	_ =	shalt  }
0x75: {  	_ =	shalt  }
0x76: {  	_ =	shalt  }
0x77: {  	_ =	shalt  }
0x78: {  	_ =	shalt  }
0x79: {  	_ =	shalt  }
0x7a: {  	_ =	shalt  }
0x7b: {  	_ =	shalt  }
0x7c: {  	_ =	shalt  }
0x7d: {  	_ =	shalt  }
0x7e: {  	_ =	shalt  }
0x7f: {  	_ =	shalt  }
0x80: {  	_ =	shalt  }
0x81: {  	_ =	shalt  }
0x82: {  	_ =	shalt  }
0x83: {  	_ =	shalt  }
0x84: {  	_ =	shalt  }
0x85: {  	_ =	shalt  }
0x86: {  	_ =	shalt  }
0x87: {  	_ =	shalt  }
.Lfunc_end0:
.L_simem_size_0:
called_computation_lowered:
.L_overlay_start_0:
0x88: {  	s2 =	sld [smem:$0x3FD9]  }
0x89: {  	s3 =	sld [smem:$0x3FFE];
	_ =	sdelay $0x1  }
0x8a: {  	s1 =	srdreg.scid  }
0x8b: {  	s0 =	sand.u32 $0x1, s1  }
0x8c: {  	s17 =	sshll.u32 s0, $0xA;
	s2 =	sadd.s32 s3, s2  }
0x8d: {  	s2 =	sadd.s32 s2, s17  }
0x8e: {  	[smem:$0x3FC1] =	sst s2  }
0x8f: {  	_ = 	snop  }
0x90: {  	s2 =	sld [smem:$0x3FC7]  }
0x91: {  	s18 =	sld [smem:$0x3FC6]  }
0x92: {  	s4 =	sld [smem:$0x3FC5]  }
0x93: {  	s5 =	sld [smem:$0x3FD0];
	(tm) =	ssettm $0x1  }
0x94: {  	s6 =	sld [smem:$0x3FFB];
	_ =	sdelay $0x3  }
0x95: {  	_ =	strace s6  }
0x96: {  	s6 =	sld [smem:$0x3FFC];
	_ =	sdelay $0x3  }
0x97: {  	_ =	strace s6  }
0x98: {  	s6 =	sld [smem:$0x3FFD];
	_ =	sdelay $0x3  }
0x99: {  	_ =	strace s6  }
0x9a: {  	_ =	strace $0x8FFFFFFF  }
0x9b: {  	s19 =	sld [smem:$0x3FDB];
	_ =	sdelay $0x1  }
0x9c: {  	s7 =	simm.s32 $_scs_section_size  }
0x9d: {  	s8 =	simm.s32 $_size__tile_overlayer_lowered;
	s9 =	simm.s32 $_tile_overlayer_lowered  }
0x9e: {  	s22 =	simm.s32 $0x1BFF;
	s21 =	sshll.u32 s9, $0x1;
	s6 =	sadd.s32 s7, s19  }
0x9f: {  	s10 =	simm.s32 $0x0;
	s20 =	sshll.u32 s8, $0x1;
	s8 =	sadd.s32 s21, s6  }
0xa0: {  	[timem:s10], [sflag:s22] =	dma.local [hbm:s8], s20  }
0xa1: {  	_ =	swait.ge [sflag:s22], s20  }
0xa2: {  	s7 =	ssub.s32 $0x0, s20;
	[sflag:s22] =	ssyncset.done $0x0  }
0xa3: {  	[sflag:s22] =	ssyncadd.s32 s7;
	_ =	sdelay $0x1  }
0xa4: {  	s23 =	simm.s32 $0x1B8B  }
0xa5: {  	_ =	swait.ge [sflag:s23], $0x1  }
0xa6: {  	[sflag:s23] =	ssyncset.done $0x0  }
0xa7: {  	s25 =	simm.s32 $0x1B8E;
	s24 =	sld [smem:$0x3FFE];
	[sflag:s23] =	ssyncadd.s32 $0xFFFFFFFF  }
0xa8: {  	s26 =	simm.s32 $execute0_lowered;
	[smem:$0x3FD2] =	sst s25  }
0xa9: {  	s8 =	sshll.u32 s26, $0x1;
	_ =	strace $0x80000046;
	[dreg:$0x1] =	wrdreg $0xFFFFFFFF  }
0xaa: {  	s28 =	simm.s32 $_size_execute0_lowered;
	s6 =	sadd.s32 s6, s8;
	[dreg:$0x0] =	wrdreg $0x0  }
0xab: {  	s8 =	sshll.u32 s28, $0x1;
	[dreg:$0x2] =	wrdreg s6  }
0xac: {  	[dreg:$0x3] =	wrdreg s8  }
0xad: {  	[dreg:$0x4] =	wrdreg $0xC0  }
0xae: {  	_ =	task [dreg:s10], $0x5FFFF  }
0xaf: {  	[dreg:$0x1] =	wrdreg $0xFFFFFFFF  }
0xb0: {  	[dreg:$0x0] =	wrdreg $0x60  }
0xb1: {  	[dreg:$0x2] =	wrdreg s4  }
0xb2: {  	[dreg:$0x3] =	wrdreg s24  }
0xb3: {  	[dreg:$0x4] =	wrdreg s2  }
0xb4: {  	[dreg:$0x5] =	wrdreg s18  }
0xb5: {  	[dreg:$0x6] =	wrdreg s5  }
0xb6: {  	[dreg:$0x7] =	wrdreg $0x9  }
0xb7: {  	_ =	task.clear_ibuf [dreg:s10], $0x8FFFF;
	_ =	strace $0x90000046  }
0xb8: {  	s29 =	simm.s32 $0x9;
	_ =	strace $0x80000048  }
0xb9: {  	_ =	swait.ge [sflag:s29], $0x1  }
0xba: {  	[sflag:s29] =	ssyncadd.s32 $0xFFFFFFFF  }
0xbb: {  	_ =	strace $0x90000048  }
0xbc: {  	_ =	sfence  }
0xbd: {  	s30 =	sld [smem:$0x0];
	_ =	sdelay $0x2  }
0xbe: {  	s31 =	sshll.u32 s1, $0xD;
	s1 =	sshrl.u32 s1, $0x2  }
0xbf: {  	s3 =	sand.u32 $0x4000, s31;
	s1 =	sadd.s32 s1, s30  }
0xc0: {  	s0 =	sor.u32 s3, s0;
	s1 =	sshll.u32 s1, $0x11  }
0xc1: {  	s0 =	sor.u32 s1, s0  }
0xc2: {  	s0 =	sadd.s32 $0x8F2B, s0  }
0xc3: {  	[sflag:s0] =	ssyncadd.remote.s32 $0x1  }
0xc4: {  	_ =	sfence.sel $0xFFFF  }
0xc5: {  	[dreg:$0x0] =	wrdreg $0xFFFFFFFF;
	(pc) =	sbr.abs _section_cstart, $3  }
0xc6: {  	[dreg:$0x1] =	wrdreg $0xFFFFFFFF  }
0xc7: {  	_ =	task.clear_ibuf [dreg:s10], $0x2FFFF;
	_ =	strace $0x9FFFFFFF  }
0xc8: {  	(tm) =	ssettm $0x7FFFFFFF  }
0xc9: {  	_ =	shalt  }
tec
execute0_lowered:
.L_overlay_start_1:
0x0: {  	(tag) =	ssettag $0x1  }
0x1: {  	s1 =	rddreg [dreg:$0x0]  }
0x2: {  	s0 =	rddreg [dreg:$0x1]  }
0x3: {  	s2 =	rddreg [dreg:$0x2]  }
0x4: {  	s7 =	rddreg [dreg:$0x3]  }
0x5: {  	s8 =	rddreg [dreg:$0x4]  }
0x6: {  	s3 =	srdreg.scid;
	s5 =	stileid.u32  }
0x7: {  	s13 =	simm.s32 $0x2;
	s14 =	simm.s32 $0x3;
	s15 =	simm.s32 $0x600  }
0x8: {  	s20 =	simm.s32 $0x2400;
	s21 =	simm.s32 $0x3C00;
	s22 =	simm.s32 $0x2A00  }
0x9: {  	s23 =	simm.s32 $0x4200;
	s24 =	simm.s32 $0x1;
	s28 =	simm.s32 $0x6  }
0xa: {  	s29 =	simm.s32 $0x7;
	s30 =	simm.s32 $0x8;
	s31 =	simm.s32 $0x4800  }
0xb: {  	s4 =	sand.u32 $0x1, s3;
	s3 =	simm.s32 $0x0;
	s5 =	sshll.u32 s5, $0x9  }
0xc: {  	s6 =	sshll.u32 s4, $0x8;
	[smem:$0x7FF] =	sst s3;
	s25 =	ssub.s32 $0x2, s4  }
0xd: {  	s4 =	sadd.s32 $0x2400, s0;
	s9 =	sor.u32 s6, s5;
	s10 =	sshrl.u32 s25, $0x1  }
0xe: {  	_ =	strace $0x80000047;
	s6 =	sadd.s32 s9, s0;
	s26 =	ssub.s32 s25, s10  }
0xf: {  	s7 =	sadd.s32 s7, s9;
	s8 =	sadd.s32 s8, s9;
	s25 =	simm.s32 $0x4  }
0x10: {  	s0 =	simm.s32 $0x9;
	s5 =	sadd.s32 $0x400, s6;
	s6 =	sadd.s32 s2, s9  }
0x11: {  	s9 =	smax.u32 s26, $0x1;
	s26 =	simm.s32 $0x5;
	s2 =	simm.s32 $0x0  }
.LBB2_1:
0x12: {  	[tilespmem:s3], [sflag:$0x1] =	stream.linear.gather [hbm4b:s5+s3], $0x800, $0x38;
	[tilespmem:$0x5800] =	vst v63  }
0x13: {  	s10 =	simm.s32 $0x800  }
0x14: {  	[tilespmem:s10], [sflag:$0x2] =	stream.linear.gather [hbm4b:s6+s3], $0x800, $0x38;
	[tilespmem:$0x5800] =	vst v63  }
0x15: {  	s16 =	simm.s32 $0x1000  }
0x16: {  	[tilespmem:s16], [sflag:$0x3] =	stream.linear.gather [hbm4b:s7+s3], $0x800, $0x38;
	[tilespmem:$0x5800] =	vst v63  }
0x17: {  	s17 =	simm.s32 $0x5000  }
0x18: {  	[tilespmem:s17], [sflag:$0x4] =	stream.linear.gather [hbm4b:s4+s3], $0x800, $0x38;
	[tilespmem:$0x5800] =	vst v63  }
0x19: {  	_ =	swait.ge [sflag:s13], $0x800  }
0x1a: {  	[sflag:s13] =	ssyncset.done $0x0  }
0x1b: {  	[sflag:s13] =	ssyncadd.s32 $0xFFFFF800  }
0x1c: {  	_ =	swait.ge [sflag:s14], $0x800  }
0x1d: {  	[sflag:s14] =	ssyncset.done $0x0  }
0x1e: {  	s18 =	simm.s32 $0x1020;
	[sflag:s14] =	ssyncadd.s32 $0xFFFFF800  }
0x1f: {  	s11 =	simm.s32 $0x820;
	v0 =	vld [tilespmem:s18+$0x10]  }
0x20: {  	v1 =	vld [tilespmem:s11+$0x10]  }
0x21: {  	v2 =	vld [tilespmem:s11+$0xFFFFFFE0]  }
0x22: {  	v5 =	vld [tilespmem:s18+$0x0]  }
0x23: {  	v9 =	vld [tilespmem:s18+$0xFFFFFFE0];
	_ =	sdelay $0x2  }
0x24: {  	v7 =	vshll.u32 v0, $0xC;
	v8 =	vshll.u32 v1, $0x3  }
0x25: {  	v3 =	vld [tilespmem:s18+$0xFFFFFFF0];
	v0 =	vshll.u32 v0, $0x7;
	v10 =	vshll.u32 v2, $0x3;
	v1 =	vand.u32 $0x7F, v1  }
0x26: {  	v4 =	vld [tilespmem:s11+$0xFFFFFFF0];
	v11 =	vshll.u32 v5, $0xC;
	v13 =	vshll.u32 v9, $0xC;
	v9 =	vshll.u32 v9, $0x7  }
0x27: {  	v5 =	vshll.u32 v5, $0x7;
	v2 =	vand.u32 $0x7F, v2;
	v7 =	vand.u32 $0xFFFF8000, v7  }
0x28: {  	v6 =	vld [tilespmem:s11+$0x0];
	v8 =	vand.u32 $0xFFFFFC00, v8;
	v0 =	vand.u32 $0x380, v0;
	v13 =	vand.u32 $0xFFFF8000, v13  }
0x29: {  	v11 =	vand.u32 $0xFFFF8000, v11;
	v9 =	vand.u32 $0x380, v9;
	v5 =	vand.u32 $0x380, v5  }
0x2a: {  	v7 =	vadd.s32 v7, v8;
	v8 =	vshll.u32 v3, $0xC;
	v3 =	vshll.u32 v3, $0x7  }
0x2b: {  	v0 =	vor.u32 v0, v7;
	v7 =	vshll.u32 v4, $0x3;
	v8 =	vand.u32 $0xFFFF8000, v8  }
0x2c: {  	s19 =	simm.s32 $0x1060;
	v3 =	vand.u32 $0x380, v3;
	v4 =	vand.u32 $0x7F, v4;
	v12 =	vor.u32 v1, v0  }
0x2d: {  	v57 =	vld [tilespmem:s19+$0xFFFFFFE0];
	v0 =	vand.u32 $0xFFFFFC00, v10;
	v1 =	vshll.u32 v6, $0x3;
	v7 =	vand.u32 $0xFFFFFC00, v7  }
0x2e: {  	s10 =	simm.s32 $0x860;
	v1 =	vand.u32 $0xFFFFFC00, v1;
	v0 =	vadd.s32 v13, v0;
	v7 =	vadd.s32 v8, v7;
	v8 =	vld [tilespmem:s19+$0x10]  }
0x2f: {  	s12 =	simm.s32 $0x1A20;
	v10 =	vadd.s32 $0x2000000, v12;
	v1 =	vadd.s32 v11, v1;
	v11 =	vld [tilespmem:s10+$0x10];
	v9 =	vor.u32 v9, v0  }
0x30: {  	[tilespmem:s12+$0xFFFFFE10] =	vst v12;
	v3 =	vor.u32 v3, v7;
	v0 =	vld [tilespmem:s10+$0xFFFFFFE0];
	v1 =	vor.u32 v5, v1;
	v5 =	vand.u32 $0x7F, v6  }
0x31: {  	[tilespmem:s12+$0x210] =	vst v10;
	v10 =	vld [tilespmem:s19+$0x0];
	v2 =	vor.u32 v2, v9;
	v4 =	vor.u32 v4, v3;
	v7 =	vor.u32 v5, v1  }
0x32: {  	s16 =	sand.u32 $0x1C0, s3;
	[tilespmem:s12+$0xFFFFFDE0] =	vst v2;
	v3 =	vadd.s32 $0x1000000, v2;
	v5 =	vadd.s32 $0x2000000, v2;
	v9 =	vadd.s32 $0x1000000, v4  }
0x33: {  	v6 =	vld [tilespmem:s19+$0xFFFFFFF0];
	[tilespmem:s16+$0x1A00] =	vst v3;
	v3 =	vadd.s32 $0x2000000, v4;
	v56 =	vadd.s32 $0x1000000, v7;
	v14 =	vadd.s32 $0x2000000, v7  }
0x34: {  	[tilespmem:s16+$0x1C00] =	vst v5;
	v5 =	vadd.s32 $0x1000000, v12;
	v15 =	vshll.u32 v8, $0xC;
	v8 =	vshll.u32 v8, $0x7  }
0x35: {  	v1 =	vld [tilespmem:s10+$0xFFFFFFF0];
	[tilespmem:s12+$0x10] =	vst v5;
	v5 =	vshll.u32 v57, $0xC;
	v16 =	vshll.u32 v11, $0x3;
	v15 =	vand.u32 $0xFFFF8000, v15  }
0x36: {  	v2 =	vld [tilespmem:s10+$0x0];
	[tilespmem:s12+$0xFFFFFFF0] =	vst v9;
	v9 =	vshll.u32 v0, $0x3;
	v8 =	vand.u32 $0x380, v8;
	v59 =	vshll.u32 v10, $0xC  }
0x37: {  	[tilespmem:s12+$0xFFFFFDF0] =	vst v4;
	v62 =	vand.u32 $0xFFFF8000, v5;
	v5 =	vshll.u32 v10, $0x7;
	v16 =	vand.u32 $0xFFFFFC00, v16  }
0x38: {  	[tilespmem:s12+$0xFFFFFE00] =	vst v7;
	v58 =	vshll.u32 v6, $0xC;
	v9 =	vand.u32 $0xFFFFFC00, v9;
	v13 =	vand.u32 $0xFFFF8000, v59  }
0x39: {  	[tilespmem:s12+$0x1F0] =	vst v3;
	v6 =	vshll.u32 v6, $0x7;
	v15 =	vadd.s32 v15, v16;
	v61 =	vand.u32 $0xFFFF8000, v58  }
0x3a: {  	[tilespmem:s12+$0x0] =	vst v56;
	v9 =	vadd.s32 v62, v9;
	v3 =	vor.u32 v8, v15;
	v8 =	vand.u32 $0x7F, v11  }
0x3b: {  	s11 =	simm.s32 $0x1A60;
	[tilespmem:s12+$0x200] =	vst v14;
	v11 =	vshll.u32 v1, $0x3;
	v3 =	vor.u32 v8, v3;
	v8 =	vshll.u32 v2, $0x3  }
0x3c: {  	s17 =	simm.s32 $0x0;
	v11 =	vand.u32 $0xFFFFFC00, v11;
	v60 =	vadd.s32 $0x2000000, v3;
	v63 =	vand.u32 $0xFFFFFC00, v8;
	[tilespmem:s11+$0xFFFFFE10] =	vst v3  }
0x3d: {  	s18 =	simm.s32 $0x10A0;
	s16 =	simm.s32 $0x4;
	s12 =	simm.s32 $0x1A60;
	v8 =	vshll.u32 v57, $0x7;
	v7 =	vadd.s32 v61, v11;
	[tilespmem:s11+$0x210] =	vst v60;
	v4 =	vadd.s32 v13, v63  }
.LBB2_2:
0x3e: {  	v10 =	vld [tilespmem:s18+$0x10];
	v8 =	vand.u32 $0x380, v8;
	v6 =	vand.u32 $0x380, v6;
	v5 =	vand.u32 $0x380, v5;
	s10 =	sadd.s32 $0x40, s10  }
0x3f: {  	s16 =	sadd.s32 $0x4, s16;
	v11 =	vld [tilespmem:s10+$0x10];
	v8 =	vor.u32 v8, v9;
	v6 =	vor.u32 v6, v7;
	v4 =	vor.u32 v5, v4  }
0x40: {  	v1 =	vand.u32 $0x7F, v1;
	v2 =	vand.u32 $0x7F, v2;
	p0 =	slt.u32 s16, $0x1C;
	v5 =	vand.u32 $0x7F, v0;
	v0 =	vld [tilespmem:s10+$0xFFFFFFE0]  }
0x41: {  	s17 =	sadd.s32 $0x40, s17;
	v5 =	vor.u32 v5, v8;
	v6 =	vor.u32 v1, v6;
	v4 =	vor.u32 v2, v4;
	v7 =	vld [tilespmem:s18+$0xFFFFFFF0]  }
0x42: {  	s19 =	sand.u32 $0x1C0, s17;
	v2 =	vadd.s32 $0x1000000, v5;
	v8 =	vadd.s32 $0x1000000, v6;
	v1 =	vld [tilespmem:s10+$0xFFFFFFF0];
	[tilespmem:s11+$0xFFFFFDE0] =	vst v5;
	v5 =	vadd.s32 $0x2000000, v5  }
0x43: {  	v12 =	vadd.s32 $0x2000000, v6;
	v13 =	vadd.s32 $0x1000000, v4;
	v14 =	vadd.s32 $0x2000000, v4;
	v9 =	vld [tilespmem:s18+$0x0];
	[tilespmem:s19+$0x1A00] =	vst v2  }
0x44: {  	v15 =	vshll.u32 v10, $0xC;
	v2 =	vld [tilespmem:s10+$0x0];
	v16 =	vshll.u32 v11, $0x3;
	[tilespmem:s19+$0x1C00] =	vst v5;
	v5 =	vadd.s32 $0x1000000, v3  }
0x45: {  	v10 =	vshll.u32 v10, $0x7;
	v3 =	vand.u32 $0xFFFF8000, v15;
	v17 =	vld [tilespmem:s18+$0xFFFFFFE0];
	v15 =	vand.u32 $0xFFFFFC00, v16;
	[tilespmem:s11+$0xFFFFFFF0] =	vst v8  }
0x46: {  	v10 =	vand.u32 $0x380, v10;
	v8 =	vshll.u32 v0, $0x3;
	v3 =	vadd.s32 v3, v15;
	[tilespmem:s11+$0x1F0] =	vst v12  }
0x47: {  	v12 =	vshll.u32 v7, $0xC;
	v3 =	vor.u32 v10, v3;
	v10 =	vand.u32 $0x7F, v11;
	[tilespmem:s11+$0x0] =	vst v13  }
0x48: {  	v11 =	vshll.u32 v1, $0x3;
	v13 =	vshll.u32 v9, $0xC;
	v3 =	vor.u32 v10, v3;
	[tilespmem:s11+$0x200] =	vst v14  }
.Ltmp0:
0x49: {  	v10 =	vand.u32 $0xFFFFFC00, v8;
	s11 =	sadd.s32 $0x40, s11;
	v8 =	vshll.u32 v2, $0x3;
	v14 =	vadd.s32 $0x2000000, v3;
	[tilespmem:s12+$0x10] =	vst v5;
	(pc) =	sbr.rel @p0 .LBB2_2-.Ltmp0, $4  }
0x4a: {  	v12 =	vand.u32 $0xFFFF8000, v12;
	v11 =	vand.u32 $0xFFFFFC00, v11;
	v5 =	vshll.u32 v17, $0xC;
	[tilespmem:s11+$0x210] =	vst v14  }
0x4b: {  	v13 =	vand.u32 $0xFFFF8000, v13;
	v15 =	vand.u32 $0xFFFFFC00, v8;
	v14 =	vand.u32 $0xFFFF8000, v5;
	[tilespmem:s12+$0xFFFFFDF0] =	vst v6  }
0x4c: {  	v8 =	vshll.u32 v17, $0x7;
	v6 =	vshll.u32 v7, $0x7;
	v5 =	vshll.u32 v9, $0x7;
	[tilespmem:s12+$0xFFFFFE00] =	vst v4;
	s12 =	smov.u32 s11  }
0x4d: {  	s18 =	sadd.s32 $0x40, s18;
	v7 =	vadd.s32 v12, v11;
	v9 =	vadd.s32 v14, v10;
	v4 =	vadd.s32 v13, v15;
	[tilespmem:s11+$0xFFFFFE10] =	vst v3  }
0x4e: {  	v8 =	vand.u32 $0x380, v8  }
0x4f: {  	v0 =	vand.u32 $0x7F, v0;
	v3 =	vadd.s32 $0x1000000, v3;
	v8 =	vor.u32 v8, v9  }
0x50: {  	v6 =	vand.u32 $0x380, v6;
	s10 =	sadd.s32 $0x40, s17;
	[tilespmem:s12+$0x10] =	vst v3;
	v0 =	vor.u32 v0, v8  }
0x51: {  	v1 =	vand.u32 $0x7F, v1;
	v6 =	vor.u32 v6, v7;
	s10 =	sand.u32 $0x1C0, s10;
	[tilespmem:s11+$0xFFFFFDE0] =	vst v0;
	v7 =	vadd.s32 $0x1000000, v0  }
0x52: {  	v5 =	vand.u32 $0x380, v5;
	v1 =	vor.u32 v1, v6;
	v0 =	vadd.s32 $0x2000000, v0;
	[tilespmem:s10+$0x1A00] =	vst v7  }
0x53: {  	v2 =	vand.u32 $0x7F, v2;
	v4 =	vor.u32 v5, v4;
	v5 =	vadd.s32 $0x1000000, v1;
	[tilespmem:s10+$0x1C00] =	vst v0  }
0x54: {  	v0 =	vor.u32 v2, v4;
	v2 =	vadd.s32 $0x2000000, v1;
	[tilespmem:s11+$0xFFFFFFF0] =	vst v5  }
0x55: {  	v4 =	vadd.s32 $0x1000000, v0;
	[tilespmem:s11+$0x1F0] =	vst v2  }
0x56: {  	v2 =	vadd.s32 $0x2000000, v0;
	[tilespmem:s11+$0x0] =	vst v4  }
0x57: {  	[tilespmem:s11+$0x200] =	vst v2  }
0x58: {  	[tilespmem:s12+$0xFFFFFDF0] =	vst v1  }
0x59: {  	s16 =	simm.s32 $0x1230;
	s11 =	simm.s32 $0x1800;
	[tilespmem:s12+$0xFFFFFE00] =	vst v0;
	s12 =	simm.s32 $0x3000  }
0x5a: {  	[tilespmem:s12], [sflag:$0x5] =	stream.indirect.gather [hbm4b:s1+s15], $0x1, s11, s15, $0xb8;
	[tilespmem:$0x5800] =	vst v63  }
0x5b: {  	s17 =	simm.s32 $0xA30;
	v0 =	vld [tilespmem:s16+$0x0]  }
0x5c: {  	v1 =	vld [tilespmem:s17+$0x0]  }
0x5d: {  	v2 =	vld [tilespmem:s17+$0xFFFFFFD0]  }
0x5e: {  	v5 =	vld [tilespmem:s16+$0xFFFFFFF0]  }
0x5f: {  	v9 =	vld [tilespmem:s16+$0xFFFFFFD0];
	_ =	sdelay $0x2  }
0x60: {  	v7 =	vshll.u32 v0, $0xC;
	v8 =	vshll.u32 v1, $0x3  }
0x61: {  	v3 =	vld [tilespmem:s16+$0xFFFFFFE0];
	v0 =	vshll.u32 v0, $0x7;
	v10 =	vshll.u32 v2, $0x3;
	v1 =	vand.u32 $0x7F, v1  }
0x62: {  	v4 =	vld [tilespmem:s17+$0xFFFFFFE0];
	v11 =	vshll.u32 v5, $0xC;
	v13 =	vshll.u32 v9, $0xC;
	v9 =	vshll.u32 v9, $0x7  }
0x63: {  	v5 =	vshll.u32 v5, $0x7;
	v2 =	vand.u32 $0x7F, v2;
	v7 =	vand.u32 $0xFFFF8000, v7  }
0x64: {  	v6 =	vld [tilespmem:s17+$0xFFFFFFF0];
	v8 =	vand.u32 $0xFFFFFC00, v8;
	v0 =	vand.u32 $0x380, v0;
	v13 =	vand.u32 $0xFFFF8000, v13  }
0x65: {  	v11 =	vand.u32 $0xFFFF8000, v11;
	v9 =	vand.u32 $0x380, v9;
	v5 =	vand.u32 $0x380, v5  }
0x66: {  	v7 =	vadd.s32 v7, v8;
	v8 =	vshll.u32 v3, $0xC;
	v3 =	vshll.u32 v3, $0x7  }
0x67: {  	v0 =	vor.u32 v0, v7;
	v7 =	vshll.u32 v4, $0x3;
	v8 =	vand.u32 $0xFFFF8000, v8  }
0x68: {  	s18 =	simm.s32 $0x1270;
	v3 =	vand.u32 $0x380, v3;
	v4 =	vand.u32 $0x7F, v4;
	v12 =	vor.u32 v1, v0  }
0x69: {  	v58 =	vld [tilespmem:s18+$0xFFFFFFD0];
	v0 =	vand.u32 $0xFFFFFC00, v10;
	v1 =	vshll.u32 v6, $0x3;
	v7 =	vand.u32 $0xFFFFFC00, v7  }
0x6a: {  	s10 =	simm.s32 $0xA70;
	v1 =	vand.u32 $0xFFFFFC00, v1;
	v0 =	vadd.s32 v13, v0;
	v7 =	vadd.s32 v8, v7;
	v8 =	vld [tilespmem:s18+$0x0]  }
0x6b: {  	s16 =	simm.s32 $0x2230;
	v10 =	vadd.s32 $0x2000000, v12;
	v1 =	vadd.s32 v11, v1;
	v11 =	vld [tilespmem:s10+$0x0];
	v9 =	vor.u32 v9, v0  }
0x6c: {  	s11 =	simm.s32 $0x0;
	[tilespmem:s16+$0xFFFFFC00] =	vst v12;
	v3 =	vor.u32 v3, v7;
	v0 =	vld [tilespmem:s10+$0xFFFFFFD0];
	v1 =	vor.u32 v5, v1;
	v5 =	vand.u32 $0x7F, v6  }
0x6d: {  	s19 =	sand.u32 $0x1C0, s11;
	[tilespmem:s16+$0x0] =	vst v10;
	v10 =	vld [tilespmem:s18+$0xFFFFFFF0];
	v2 =	vor.u32 v2, v9;
	v4 =	vor.u32 v4, v3;
	v5 =	vor.u32 v5, v1  }
0x6e: {  	[tilespmem:s19+$0x1E00] =	vst v2;
	v3 =	vadd.s32 $0x1000000, v2;
	v7 =	vadd.s32 $0x2000000, v2;
	v9 =	vadd.s32 $0x1000000, v4  }
0x6f: {  	v6 =	vld [tilespmem:s18+$0xFFFFFFE0];
	[tilespmem:s19+$0x2000] =	vst v3;
	v3 =	vadd.s32 $0x2000000, v4;
	v57 =	vadd.s32 $0x1000000, v5;
	v14 =	vadd.s32 $0x2000000, v5  }
0x70: {  	[tilespmem:s19+$0x2200] =	vst v7;
	v7 =	vadd.s32 $0x1000000, v12;
	v15 =	vshll.u32 v8, $0xC;
	v8 =	vshll.u32 v8, $0x7  }
0x71: {  	v1 =	vld [tilespmem:s10+$0xFFFFFFE0];
	[tilespmem:s16+$0xFFFFFE00] =	vst v7;
	v7 =	vshll.u32 v58, $0xC;
	v16 =	vshll.u32 v11, $0x3;
	v15 =	vand.u32 $0xFFFF8000, v15  }
0x72: {  	v2 =	vld [tilespmem:s10+$0xFFFFFFF0];
	[tilespmem:s16+$0xFFFFFDE0] =	vst v9;
	v9 =	vshll.u32 v0, $0x3;
	v8 =	vand.u32 $0x380, v8;
	v60 =	vshll.u32 v10, $0xC  }
0x73: {  	[tilespmem:s16+$0xFFFFFBE0] =	vst v4;
	v7 =	vand.u32 $0xFFFF8000, v7;
	v4 =	vshll.u32 v10, $0x7;
	v16 =	vand.u32 $0xFFFFFC00, v16  }
0x74: {  	[tilespmem:s16+$0xFFFFFBF0] =	vst v5;
	v59 =	vshll.u32 v6, $0xC;
	v9 =	vand.u32 $0xFFFFFC00, v9;
	v13 =	vand.u32 $0xFFFF8000, v60  }
0x75: {  	[tilespmem:s16+$0xFFFFFFE0] =	vst v3;
	v6 =	vshll.u32 v6, $0x7;
	v15 =	vadd.s32 v15, v16;
	v62 =	vand.u32 $0xFFFF8000, v59  }
0x76: {  	[tilespmem:s16+$0xFFFFFDF0] =	vst v57;
	v9 =	vadd.s32 v7, v9;
	v3 =	vor.u32 v8, v15;
	v8 =	vand.u32 $0x7F, v11  }
0x77: {  	s12 =	simm.s32 $0x2270;
	[tilespmem:s16+$0xFFFFFFF0] =	vst v14;
	v11 =	vshll.u32 v1, $0x3;
	v3 =	vor.u32 v8, v3;
	v8 =	vshll.u32 v2, $0x3  }
0x78: {  	v11 =	vand.u32 $0xFFFFFC00, v11;
	v61 =	vadd.s32 $0x2000000, v3;
	v63 =	vand.u32 $0xFFFFFC00, v8;
	[tilespmem:s12+$0xFFFFFC00] =	vst v3  }
0x79: {  	s17 =	simm.s32 $0x4;
	s18 =	simm.s32 $0x12B0;
	s16 =	simm.s32 $0x2270;
	v8 =	vshll.u32 v58, $0x7;
	v7 =	vadd.s32 v62, v11;
	[tilespmem:s12+$0x0] =	vst v61;
	v5 =	vadd.s32 v13, v63  }
.LBB2_4:
0x7a: {  	v10 =	vld [tilespmem:s18+$0x0];
	v8 =	vand.u32 $0x380, v8;
	v6 =	vand.u32 $0x380, v6;
	v4 =	vand.u32 $0x380, v4;
	s10 =	sadd.s32 $0x40, s10  }
0x7b: {  	s17 =	sadd.s32 $0x4, s17;
	v11 =	vld [tilespmem:s10+$0x0];
	v8 =	vor.u32 v8, v9;
	v6 =	vor.u32 v6, v7;
	v4 =	vor.u32 v4, v5  }
0x7c: {  	v1 =	vand.u32 $0x7F, v1;
	v2 =	vand.u32 $0x7F, v2;
	s11 =	sadd.s32 $0x40, s11;
	p0 =	slt.u32 s17, $0x1C;
	v5 =	vand.u32 $0x7F, v0;
	v0 =	vld [tilespmem:s10+$0xFFFFFFD0]  }
0x7d: {  	s19 =	sand.u32 $0x1C0, s11;
	v5 =	vor.u32 v5, v8;
	v6 =	vor.u32 v1, v6;
	v9 =	vor.u32 v2, v4;
	v7 =	vld [tilespmem:s18+$0xFFFFFFE0]  }
0x7e: {  	v2 =	vadd.s32 $0x1000000, v5;
	v4 =	vadd.s32 $0x2000000, v5;
	v1 =	vld [tilespmem:s10+$0xFFFFFFE0];
	[tilespmem:s19+$0x1E00] =	vst v5;
	v5 =	vadd.s32 $0x1000000, v6  }
0x7f: {  	v8 =	vadd.s32 $0x2000000, v6;
	v13 =	vadd.s32 $0x1000000, v9;
	v14 =	vadd.s32 $0x2000000, v9;
	v12 =	vld [tilespmem:s18+$0xFFFFFFF0];
	[tilespmem:s19+$0x2000] =	vst v2  }
0x80: {  	v15 =	vshll.u32 v10, $0xC;
	v2 =	vld [tilespmem:s10+$0xFFFFFFF0];
	v16 =	vshll.u32 v11, $0x3;
	[tilespmem:s19+$0x2200] =	vst v4;
	v4 =	vadd.s32 $0x1000000, v3  }
0x81: {  	v10 =	vshll.u32 v10, $0x7;
	v3 =	vand.u32 $0xFFFF8000, v15;
	v17 =	vld [tilespmem:s18+$0xFFFFFFD0];
	v15 =	vand.u32 $0xFFFFFC00, v16;
	[tilespmem:s12+$0xFFFFFDE0] =	vst v5  }
0x82: {  	v10 =	vand.u32 $0x380, v10;
	v5 =	vshll.u32 v0, $0x3;
	v3 =	vadd.s32 v3, v15;
	[tilespmem:s12+$0xFFFFFFE0] =	vst v8  }
0x83: {  	v8 =	vshll.u32 v7, $0xC;
	v3 =	vor.u32 v10, v3;
	v10 =	vand.u32 $0x7F, v11;
	[tilespmem:s12+$0xFFFFFDF0] =	vst v13  }
0x84: {  	v11 =	vshll.u32 v1, $0x3;
	v13 =	vshll.u32 v12, $0xC;
	v3 =	vor.u32 v10, v3;
	[tilespmem:s12+$0xFFFFFFF0] =	vst v14  }
.Ltmp1:
0x85: {  	v5 =	vand.u32 $0xFFFFFC00, v5;
	s12 =	sadd.s32 $0x40, s12;
	v10 =	vshll.u32 v2, $0x3;
	v14 =	vadd.s32 $0x2000000, v3;
	[tilespmem:s16+$0xFFFFFE00] =	vst v4;
	(pc) =	sbr.rel @p0 .LBB2_4-.Ltmp1, $4  }
0x86: {  	v15 =	vand.u32 $0xFFFF8000, v8;
	v11 =	vand.u32 $0xFFFFFC00, v11;
	v4 =	vshll.u32 v17, $0xC;
	[tilespmem:s12+$0x0] =	vst v14  }
0x87: {  	v13 =	vand.u32 $0xFFFF8000, v13;
	v10 =	vand.u32 $0xFFFFFC00, v10;
	v14 =	vand.u32 $0xFFFF8000, v4;
	[tilespmem:s16+$0xFFFFFBE0] =	vst v6  }
0x88: {  	v8 =	vshll.u32 v17, $0x7;
	v6 =	vshll.u32 v7, $0x7;
	v4 =	vshll.u32 v12, $0x7;
	[tilespmem:s16+$0xFFFFFBF0] =	vst v9;
	s16 =	smov.u32 s12  }
0x89: {  	s18 =	sadd.s32 $0x40, s18;
	v7 =	vadd.s32 v15, v11;
	v9 =	vadd.s32 v14, v5;
	v5 =	vadd.s32 v13, v10;
	[tilespmem:s12+$0xFFFFFC00] =	vst v3  }
0x8a: {  	v8 =	vand.u32 $0x380, v8  }
0x8b: {  	v0 =	vand.u32 $0x7F, v0;
	s10 =	sadd.s32 $0x40, s11;
	v3 =	vadd.s32 $0x1000000, v3;
	v8 =	vor.u32 v8, v9  }
0x8c: {  	v6 =	vand.u32 $0x380, v6;
	s10 =	sand.u32 $0x1C0, s10;
	[tilespmem:s16+$0xFFFFFE00] =	vst v3;
	v0 =	vor.u32 v0, v8  }
0x8d: {  	v1 =	vand.u32 $0x7F, v1;
	v6 =	vor.u32 v6, v7;
	[tilespmem:s10+$0x1E00] =	vst v0;
	v7 =	vadd.s32 $0x1000000, v0  }
0x8e: {  	v4 =	vand.u32 $0x380, v4;
	v1 =	vor.u32 v1, v6;
	v0 =	vadd.s32 $0x2000000, v0;
	[tilespmem:s10+$0x2000] =	vst v7  }
0x8f: {  	v2 =	vand.u32 $0x7F, v2;
	v4 =	vor.u32 v4, v5;
	v5 =	vadd.s32 $0x1000000, v1;
	[tilespmem:s10+$0x2200] =	vst v0  }
0x90: {  	v0 =	vor.u32 v2, v4;
	v2 =	vadd.s32 $0x2000000, v1;
	[tilespmem:s12+$0xFFFFFDE0] =	vst v5  }
0x91: {  	v4 =	vadd.s32 $0x1000000, v0;
	[tilespmem:s12+$0xFFFFFFE0] =	vst v2  }
0x92: {  	v2 =	vadd.s32 $0x2000000, v0;
	[tilespmem:s12+$0xFFFFFDF0] =	vst v4  }
0x93: {  	[tilespmem:s12+$0xFFFFFFF0] =	vst v2  }
0x94: {  	[tilespmem:s16+$0xFFFFFBE0] =	vst v1  }
0x95: {  	s11 =	simm.s32 $0x1E00;
	s12 =	simm.s32 $0x3600;
	[tilespmem:s16+$0xFFFFFBF0] =	vst v0;
	s16 =	simm.s32 $0x1430  }
0x96: {  	[tilespmem:s12], [sflag:$0x6] =	stream.indirect.gather [hbm4b:s1+s15], $0x1, s11, s15, $0xb8;
	[tilespmem:$0x5800] =	vst v63  }
0x97: {  	s17 =	simm.s32 $0xC30;
	v0 =	vld [tilespmem:s16+$0x0]  }
0x98: {  	v1 =	vld [tilespmem:s17+$0x0]  }
0x99: {  	v2 =	vld [tilespmem:s17+$0xFFFFFFD0]  }
0x9a: {  	v5 =	vld [tilespmem:s16+$0xFFFFFFF0]  }
0x9b: {  	v9 =	vld [tilespmem:s16+$0xFFFFFFD0];
	_ =	sdelay $0x2  }
0x9c: {  	v7 =	vshll.u32 v0, $0xC;
	v8 =	vshll.u32 v1, $0x3  }
0x9d: {  	v3 =	vld [tilespmem:s16+$0xFFFFFFE0];
	v0 =	vshll.u32 v0, $0x7;
	v10 =	vshll.u32 v2, $0x3;
	v1 =	vand.u32 $0x7F, v1  }
0x9e: {  	v4 =	vld [tilespmem:s17+$0xFFFFFFE0];
	v11 =	vshll.u32 v5, $0xC;
	v13 =	vshll.u32 v9, $0xC;
	v9 =	vshll.u32 v9, $0x7  }
0x9f: {  	v5 =	vshll.u32 v5, $0x7;
	v2 =	vand.u32 $0x7F, v2;
	v7 =	vand.u32 $0xFFFF8000, v7  }
0xa0: {  	v6 =	vld [tilespmem:s17+$0xFFFFFFF0];
	v8 =	vand.u32 $0xFFFFFC00, v8;
	v0 =	vand.u32 $0x380, v0;
	v13 =	vand.u32 $0xFFFF8000, v13  }
0xa1: {  	v11 =	vand.u32 $0xFFFF8000, v11;
	v9 =	vand.u32 $0x380, v9;
	v5 =	vand.u32 $0x380, v5  }
0xa2: {  	v7 =	vadd.s32 v7, v8;
	v8 =	vshll.u32 v3, $0xC;
	v3 =	vshll.u32 v3, $0x7  }
0xa3: {  	v0 =	vor.u32 v0, v7;
	v7 =	vshll.u32 v4, $0x3;
	v8 =	vand.u32 $0xFFFF8000, v8  }
0xa4: {  	s18 =	simm.s32 $0x1470;
	v3 =	vand.u32 $0x380, v3;
	v4 =	vand.u32 $0x7F, v4;
	v12 =	vor.u32 v1, v0  }
0xa5: {  	v58 =	vld [tilespmem:s18+$0xFFFFFFD0];
	v0 =	vand.u32 $0xFFFFFC00, v10;
	v1 =	vshll.u32 v6, $0x3;
	v7 =	vand.u32 $0xFFFFFC00, v7  }
0xa6: {  	s10 =	simm.s32 $0xC70;
	v1 =	vand.u32 $0xFFFFFC00, v1;
	v0 =	vadd.s32 v13, v0;
	v7 =	vadd.s32 v8, v7;
	v8 =	vld [tilespmem:s18+$0x0]  }
0xa7: {  	s19 =	simm.s32 $0x2830;
	v10 =	vadd.s32 $0x2000000, v12;
	v1 =	vadd.s32 v11, v1;
	v11 =	vld [tilespmem:s10+$0x0];
	v9 =	vor.u32 v9, v0  }
0xa8: {  	s11 =	simm.s32 $0x0;
	[tilespmem:s19+$0xFFFFFC00] =	vst v12;
	v3 =	vor.u32 v3, v7;
	v0 =	vld [tilespmem:s10+$0xFFFFFFD0];
	v1 =	vor.u32 v5, v1;
	v5 =	vand.u32 $0x7F, v6  }
0xa9: {  	s17 =	sand.u32 $0x1C0, s11;
	[tilespmem:s19+$0x0] =	vst v10;
	v10 =	vld [tilespmem:s18+$0xFFFFFFF0];
	v2 =	vor.u32 v2, v9;
	v4 =	vor.u32 v4, v3;
	v5 =	vor.u32 v5, v1  }
0xaa: {  	[tilespmem:s17+$0x2400] =	vst v2;
	v3 =	vadd.s32 $0x1000000, v2;
	v7 =	vadd.s32 $0x2000000, v2;
	v9 =	vadd.s32 $0x1000000, v4  }
0xab: {  	v6 =	vld [tilespmem:s18+$0xFFFFFFE0];
	[tilespmem:s17+$0x2600] =	vst v3;
	v3 =	vadd.s32 $0x2000000, v4;
	v57 =	vadd.s32 $0x1000000, v5;
	v14 =	vadd.s32 $0x2000000, v5  }
0xac: {  	[tilespmem:s17+$0x2800] =	vst v7;
	v7 =	vadd.s32 $0x1000000, v12;
	v15 =	vshll.u32 v8, $0xC;
	v8 =	vshll.u32 v8, $0x7  }
0xad: {  	v1 =	vld [tilespmem:s10+$0xFFFFFFE0];
	[tilespmem:s19+$0xFFFFFE00] =	vst v7;
	v7 =	vshll.u32 v58, $0xC;
	v16 =	vshll.u32 v11, $0x3;
	v15 =	vand.u32 $0xFFFF8000, v15  }
0xae: {  	v2 =	vld [tilespmem:s10+$0xFFFFFFF0];
	[tilespmem:s19+$0xFFFFFDE0] =	vst v9;
	v9 =	vshll.u32 v0, $0x3;
	v8 =	vand.u32 $0x380, v8;
	v60 =	vshll.u32 v10, $0xC  }
0xaf: {  	[tilespmem:s19+$0xFFFFFBE0] =	vst v4;
	v7 =	vand.u32 $0xFFFF8000, v7;
	v4 =	vshll.u32 v10, $0x7;
	v16 =	vand.u32 $0xFFFFFC00, v16  }
0xb0: {  	[tilespmem:s19+$0xFFFFFBF0] =	vst v5;
	v59 =	vshll.u32 v6, $0xC;
	v9 =	vand.u32 $0xFFFFFC00, v9;
	v13 =	vand.u32 $0xFFFF8000, v60  }
0xb1: {  	[tilespmem:s19+$0xFFFFFFE0] =	vst v3;
	v6 =	vshll.u32 v6, $0x7;
	v15 =	vadd.s32 v15, v16;
	v62 =	vand.u32 $0xFFFF8000, v59  }
0xb2: {  	[tilespmem:s19+$0xFFFFFDF0] =	vst v57;
	v9 =	vadd.s32 v7, v9;
	v3 =	vor.u32 v8, v15;
	v8 =	vand.u32 $0x7F, v11  }
0xb3: {  	s12 =	simm.s32 $0x2870;
	[tilespmem:s19+$0xFFFFFFF0] =	vst v14;
	v11 =	vshll.u32 v1, $0x3;
	v3 =	vor.u32 v8, v3;
	v8 =	vshll.u32 v2, $0x3  }
0xb4: {  	v11 =	vand.u32 $0xFFFFFC00, v11;
	v61 =	vadd.s32 $0x2000000, v3;
	v63 =	vand.u32 $0xFFFFFC00, v8;
	[tilespmem:s12+$0xFFFFFC00] =	vst v3  }
0xb5: {  	s16 =	simm.s32 $0x2870;
	s18 =	simm.s32 $0x14B0;
	s17 =	simm.s32 $0x4;
	v8 =	vshll.u32 v58, $0x7;
	v7 =	vadd.s32 v62, v11;
	[tilespmem:s12+$0x0] =	vst v61;
	v5 =	vadd.s32 v13, v63  }
.LBB2_6:
0xb6: {  	v10 =	vld [tilespmem:s18+$0x0];
	v8 =	vand.u32 $0x380, v8;
	v6 =	vand.u32 $0x380, v6;
	v4 =	vand.u32 $0x380, v4;
	s10 =	sadd.s32 $0x40, s10  }
0xb7: {  	s17 =	sadd.s32 $0x4, s17;
	v11 =	vld [tilespmem:s10+$0x0];
	v8 =	vor.u32 v8, v9;
	v6 =	vor.u32 v6, v7;
	v4 =	vor.u32 v4, v5  }
0xb8: {  	v1 =	vand.u32 $0x7F, v1;
	v2 =	vand.u32 $0x7F, v2;
	s11 =	sadd.s32 $0x40, s11;
	p0 =	slt.u32 s17, $0x1C;
	v5 =	vand.u32 $0x7F, v0;
	v0 =	vld [tilespmem:s10+$0xFFFFFFD0]  }
0xb9: {  	s19 =	sand.u32 $0x1C0, s11;
	v5 =	vor.u32 v5, v8;
	v6 =	vor.u32 v1, v6;
	v9 =	vor.u32 v2, v4;
	v7 =	vld [tilespmem:s18+$0xFFFFFFE0]  }
0xba: {  	v2 =	vadd.s32 $0x1000000, v5;
	v4 =	vadd.s32 $0x2000000, v5;
	v1 =	vld [tilespmem:s10+$0xFFFFFFE0];
	[tilespmem:s19+$0x2400] =	vst v5;
	v5 =	vadd.s32 $0x1000000, v6  }
0xbb: {  	v8 =	vadd.s32 $0x2000000, v6;
	v13 =	vadd.s32 $0x1000000, v9;
	v14 =	vadd.s32 $0x2000000, v9;
	v12 =	vld [tilespmem:s18+$0xFFFFFFF0];
	[tilespmem:s19+$0x2600] =	vst v2  }
0xbc: {  	v15 =	vshll.u32 v10, $0xC;
	v2 =	vld [tilespmem:s10+$0xFFFFFFF0];
	v16 =	vshll.u32 v11, $0x3;
	[tilespmem:s19+$0x2800] =	vst v4;
	v4 =	vadd.s32 $0x1000000, v3  }
0xbd: {  	v10 =	vshll.u32 v10, $0x7;
	v3 =	vand.u32 $0xFFFF8000, v15;
	v17 =	vld [tilespmem:s18+$0xFFFFFFD0];
	v15 =	vand.u32 $0xFFFFFC00, v16;
	[tilespmem:s12+$0xFFFFFDE0] =	vst v5  }
0xbe: {  	v10 =	vand.u32 $0x380, v10;
	v5 =	vshll.u32 v0, $0x3;
	v3 =	vadd.s32 v3, v15;
	[tilespmem:s12+$0xFFFFFFE0] =	vst v8  }
0xbf: {  	v8 =	vshll.u32 v7, $0xC;
	v3 =	vor.u32 v10, v3;
	v10 =	vand.u32 $0x7F, v11;
	[tilespmem:s12+$0xFFFFFDF0] =	vst v13  }
0xc0: {  	v11 =	vshll.u32 v1, $0x3;
	v13 =	vshll.u32 v12, $0xC;
	v3 =	vor.u32 v10, v3;
	[tilespmem:s12+$0xFFFFFFF0] =	vst v14  }
.Ltmp2:
0xc1: {  	v5 =	vand.u32 $0xFFFFFC00, v5;
	s12 =	sadd.s32 $0x40, s12;
	v10 =	vshll.u32 v2, $0x3;
	v14 =	vadd.s32 $0x2000000, v3;
	[tilespmem:s16+$0xFFFFFE00] =	vst v4;
	(pc) =	sbr.rel @p0 .LBB2_6-.Ltmp2, $4  }
0xc2: {  	v15 =	vand.u32 $0xFFFF8000, v8;
	v11 =	vand.u32 $0xFFFFFC00, v11;
	v4 =	vshll.u32 v17, $0xC;
	[tilespmem:s12+$0x0] =	vst v14  }
0xc3: {  	v13 =	vand.u32 $0xFFFF8000, v13;
	v10 =	vand.u32 $0xFFFFFC00, v10;
	v14 =	vand.u32 $0xFFFF8000, v4;
	[tilespmem:s16+$0xFFFFFBE0] =	vst v6  }
0xc4: {  	v8 =	vshll.u32 v17, $0x7;
	v6 =	vshll.u32 v7, $0x7;
	v4 =	vshll.u32 v12, $0x7;
	[tilespmem:s16+$0xFFFFFBF0] =	vst v9;
	s16 =	smov.u32 s12  }
0xc5: {  	s18 =	sadd.s32 $0x40, s18;
	v7 =	vadd.s32 v15, v11;
	v9 =	vadd.s32 v14, v5;
	v5 =	vadd.s32 v13, v10;
	[tilespmem:s12+$0xFFFFFC00] =	vst v3  }
0xc6: {  	v8 =	vand.u32 $0x380, v8  }
0xc7: {  	v0 =	vand.u32 $0x7F, v0;
	s10 =	sadd.s32 $0x40, s11;
	v3 =	vadd.s32 $0x1000000, v3;
	v8 =	vor.u32 v8, v9  }
0xc8: {  	v6 =	vand.u32 $0x380, v6;
	s10 =	sand.u32 $0x1C0, s10;
	[tilespmem:s16+$0xFFFFFE00] =	vst v3;
	v0 =	vor.u32 v0, v8  }
0xc9: {  	v1 =	vand.u32 $0x7F, v1;
	v6 =	vor.u32 v6, v7;
	[tilespmem:s10+$0x2400] =	vst v0;
	v7 =	vadd.s32 $0x1000000, v0  }
0xca: {  	v4 =	vand.u32 $0x380, v4;
	v1 =	vor.u32 v1, v6;
	v0 =	vadd.s32 $0x2000000, v0;
	[tilespmem:s10+$0x2600] =	vst v7  }
0xcb: {  	v2 =	vand.u32 $0x7F, v2;
	v4 =	vor.u32 v4, v5;
	v5 =	vadd.s32 $0x1000000, v1;
	[tilespmem:s10+$0x2800] =	vst v0  }
0xcc: {  	v0 =	vor.u32 v2, v4;
	v2 =	vadd.s32 $0x2000000, v1;
	[tilespmem:s12+$0xFFFFFDE0] =	vst v5  }
0xcd: {  	v4 =	vadd.s32 $0x1000000, v0;
	[tilespmem:s12+$0xFFFFFFE0] =	vst v2  }
0xce: {  	v2 =	vadd.s32 $0x2000000, v0;
	[tilespmem:s12+$0xFFFFFDF0] =	vst v4  }
0xcf: {  	[tilespmem:s12+$0xFFFFFFF0] =	vst v2  }
0xd0: {  	[tilespmem:s16+$0xFFFFFBE0] =	vst v1  }
0xd1: {  	[tilespmem:s16+$0xFFFFFBF0] =	vst v0;
	s16 =	simm.s32 $0x1630  }
0xd2: {  	[tilespmem:s21], [sflag:$0x7] =	stream.indirect.gather [hbm4b:s1+s15], $0x1, s20, s15, $0xb8;
	[tilespmem:$0x5800] =	vst v63  }
0xd3: {  	s17 =	simm.s32 $0xE30;
	v0 =	vld [tilespmem:s16+$0x0]  }
0xd4: {  	v1 =	vld [tilespmem:s17+$0x0]  }
0xd5: {  	v2 =	vld [tilespmem:s17+$0xFFFFFFD0]  }
0xd6: {  	v5 =	vld [tilespmem:s16+$0xFFFFFFF0]  }
0xd7: {  	v9 =	vld [tilespmem:s16+$0xFFFFFFD0];
	_ =	sdelay $0x2  }
0xd8: {  	v7 =	vshll.u32 v0, $0xC;
	v8 =	vshll.u32 v1, $0x3  }
0xd9: {  	v3 =	vld [tilespmem:s16+$0xFFFFFFE0];
	v0 =	vshll.u32 v0, $0x7;
	v10 =	vshll.u32 v2, $0x3;
	v1 =	vand.u32 $0x7F, v1  }
0xda: {  	v4 =	vld [tilespmem:s17+$0xFFFFFFE0];
	v11 =	vshll.u32 v5, $0xC;
	v13 =	vshll.u32 v9, $0xC;
	v9 =	vshll.u32 v9, $0x7  }
0xdb: {  	v5 =	vshll.u32 v5, $0x7;
	v2 =	vand.u32 $0x7F, v2;
	v7 =	vand.u32 $0xFFFF8000, v7  }
0xdc: {  	v6 =	vld [tilespmem:s17+$0xFFFFFFF0];
	v8 =	vand.u32 $0xFFFFFC00, v8;
	v0 =	vand.u32 $0x380, v0;
	v13 =	vand.u32 $0xFFFF8000, v13  }
0xdd: {  	v11 =	vand.u32 $0xFFFF8000, v11;
	v9 =	vand.u32 $0x380, v9;
	v5 =	vand.u32 $0x380, v5  }
0xde: {  	v7 =	vadd.s32 v7, v8;
	v8 =	vshll.u32 v3, $0xC;
	v3 =	vshll.u32 v3, $0x7  }
0xdf: {  	v0 =	vor.u32 v0, v7;
	v7 =	vshll.u32 v4, $0x3;
	v8 =	vand.u32 $0xFFFF8000, v8  }
0xe0: {  	s18 =	simm.s32 $0x1670;
	v3 =	vand.u32 $0x380, v3;
	v4 =	vand.u32 $0x7F, v4;
	v12 =	vor.u32 v1, v0  }
0xe1: {  	v58 =	vld [tilespmem:s18+$0xFFFFFFD0];
	v0 =	vand.u32 $0xFFFFFC00, v10;
	v1 =	vshll.u32 v6, $0x3;
	v7 =	vand.u32 $0xFFFFFC00, v7  }
0xe2: {  	s10 =	simm.s32 $0xE70;
	v1 =	vand.u32 $0xFFFFFC00, v1;
	v0 =	vadd.s32 v13, v0;
	v7 =	vadd.s32 v8, v7;
	v8 =	vld [tilespmem:s18+$0x0]  }
0xe3: {  	s19 =	simm.s32 $0x2E30;
	v10 =	vadd.s32 $0x2000000, v12;
	v1 =	vadd.s32 v11, v1;
	v11 =	vld [tilespmem:s10+$0x0];
	v9 =	vor.u32 v9, v0  }
0xe4: {  	s11 =	simm.s32 $0x0;
	[tilespmem:s19+$0xFFFFFC00] =	vst v12;
	v3 =	vor.u32 v3, v7;
	v0 =	vld [tilespmem:s10+$0xFFFFFFD0];
	v1 =	vor.u32 v5, v1;
	v5 =	vand.u32 $0x7F, v6  }
0xe5: {  	s17 =	sand.u32 $0x1C0, s11;
	[tilespmem:s19+$0x0] =	vst v10;
	v10 =	vld [tilespmem:s18+$0xFFFFFFF0];
	v2 =	vor.u32 v2, v9;
	v4 =	vor.u32 v4, v3;
	v5 =	vor.u32 v5, v1  }
0xe6: {  	[tilespmem:s17+$0x2A00] =	vst v2;
	v3 =	vadd.s32 $0x1000000, v2;
	v7 =	vadd.s32 $0x2000000, v2;
	v9 =	vadd.s32 $0x1000000, v4  }
0xe7: {  	v6 =	vld [tilespmem:s18+$0xFFFFFFE0];
	[tilespmem:s17+$0x2C00] =	vst v3;
	v3 =	vadd.s32 $0x2000000, v4;
	v57 =	vadd.s32 $0x1000000, v5;
	v14 =	vadd.s32 $0x2000000, v5  }
0xe8: {  	[tilespmem:s17+$0x2E00] =	vst v7;
	v7 =	vadd.s32 $0x1000000, v12;
	v15 =	vshll.u32 v8, $0xC;
	v8 =	vshll.u32 v8, $0x7  }
0xe9: {  	v1 =	vld [tilespmem:s10+$0xFFFFFFE0];
	[tilespmem:s19+$0xFFFFFE00] =	vst v7;
	v7 =	vshll.u32 v58, $0xC;
	v16 =	vshll.u32 v11, $0x3;
	v15 =	vand.u32 $0xFFFF8000, v15  }
0xea: {  	v2 =	vld [tilespmem:s10+$0xFFFFFFF0];
	[tilespmem:s19+$0xFFFFFDE0] =	vst v9;
	v9 =	vshll.u32 v0, $0x3;
	v8 =	vand.u32 $0x380, v8;
	v60 =	vshll.u32 v10, $0xC  }
0xeb: {  	[tilespmem:s19+$0xFFFFFBE0] =	vst v4;
	v7 =	vand.u32 $0xFFFF8000, v7;
	v4 =	vshll.u32 v10, $0x7;
	v16 =	vand.u32 $0xFFFFFC00, v16  }
0xec: {  	[tilespmem:s19+$0xFFFFFBF0] =	vst v5;
	v59 =	vshll.u32 v6, $0xC;
	v9 =	vand.u32 $0xFFFFFC00, v9;
	v13 =	vand.u32 $0xFFFF8000, v60  }
0xed: {  	[tilespmem:s19+$0xFFFFFFE0] =	vst v3;
	v6 =	vshll.u32 v6, $0x7;
	v15 =	vadd.s32 v15, v16;
	v62 =	vand.u32 $0xFFFF8000, v59  }
0xee: {  	[tilespmem:s19+$0xFFFFFDF0] =	vst v57;
	v9 =	vadd.s32 v7, v9;
	v3 =	vor.u32 v8, v15;
	v8 =	vand.u32 $0x7F, v11  }
0xef: {  	s12 =	simm.s32 $0x2E70;
	[tilespmem:s19+$0xFFFFFFF0] =	vst v14;
	v11 =	vshll.u32 v1, $0x3;
	v3 =	vor.u32 v8, v3;
	v8 =	vshll.u32 v2, $0x3  }
0xf0: {  	v11 =	vand.u32 $0xFFFFFC00, v11;
	v61 =	vadd.s32 $0x2000000, v3;
	v63 =	vand.u32 $0xFFFFFC00, v8;
	[tilespmem:s12+$0xFFFFFC00] =	vst v3  }
0xf1: {  	s16 =	simm.s32 $0x2E70;
	s18 =	simm.s32 $0x16B0;
	s17 =	simm.s32 $0x4;
	v8 =	vshll.u32 v58, $0x7;
	v7 =	vadd.s32 v62, v11;
	[tilespmem:s12+$0x0] =	vst v61;
	v5 =	vadd.s32 v13, v63  }
.LBB2_8:
0xf2: {  	v10 =	vld [tilespmem:s18+$0x0];
	v8 =	vand.u32 $0x380, v8;
	v6 =	vand.u32 $0x380, v6;
	v4 =	vand.u32 $0x380, v4;
	s10 =	sadd.s32 $0x40, s10  }
0xf3: {  	s17 =	sadd.s32 $0x4, s17;
	v11 =	vld [tilespmem:s10+$0x0];
	v8 =	vor.u32 v8, v9;
	v6 =	vor.u32 v6, v7;
	v4 =	vor.u32 v4, v5  }
0xf4: {  	v1 =	vand.u32 $0x7F, v1;
	v2 =	vand.u32 $0x7F, v2;
	s11 =	sadd.s32 $0x40, s11;
	p0 =	slt.u32 s17, $0x1C;
	v5 =	vand.u32 $0x7F, v0;
	v0 =	vld [tilespmem:s10+$0xFFFFFFD0]  }
0xf5: {  	s19 =	sand.u32 $0x1C0, s11;
	v5 =	vor.u32 v5, v8;
	v6 =	vor.u32 v1, v6;
	v9 =	vor.u32 v2, v4;
	v7 =	vld [tilespmem:s18+$0xFFFFFFE0]  }
0xf6: {  	v2 =	vadd.s32 $0x1000000, v5;
	v4 =	vadd.s32 $0x2000000, v5;
	v1 =	vld [tilespmem:s10+$0xFFFFFFE0];
	[tilespmem:s19+$0x2A00] =	vst v5;
	v5 =	vadd.s32 $0x1000000, v6  }
0xf7: {  	v8 =	vadd.s32 $0x2000000, v6;
	v13 =	vadd.s32 $0x1000000, v9;
	v14 =	vadd.s32 $0x2000000, v9;
	v12 =	vld [tilespmem:s18+$0xFFFFFFF0];
	[tilespmem:s19+$0x2C00] =	vst v2  }
0xf8: {  	v15 =	vshll.u32 v10, $0xC;
	v2 =	vld [tilespmem:s10+$0xFFFFFFF0];
	v16 =	vshll.u32 v11, $0x3;
	[tilespmem:s19+$0x2E00] =	vst v4;
	v4 =	vadd.s32 $0x1000000, v3  }
0xf9: {  	v10 =	vshll.u32 v10, $0x7;
	v3 =	vand.u32 $0xFFFF8000, v15;
	v17 =	vld [tilespmem:s18+$0xFFFFFFD0];
	v15 =	vand.u32 $0xFFFFFC00, v16;
	[tilespmem:s12+$0xFFFFFDE0] =	vst v5  }
0xfa: {  	v10 =	vand.u32 $0x380, v10;
	v5 =	vshll.u32 v0, $0x3;
	v3 =	vadd.s32 v3, v15;
	[tilespmem:s12+$0xFFFFFFE0] =	vst v8  }
0xfb: {  	v8 =	vshll.u32 v7, $0xC;
	v3 =	vor.u32 v10, v3;
	v10 =	vand.u32 $0x7F, v11;
	[tilespmem:s12+$0xFFFFFDF0] =	vst v13  }
0xfc: {  	v11 =	vshll.u32 v1, $0x3;
	v13 =	vshll.u32 v12, $0xC;
	v3 =	vor.u32 v10, v3;
	[tilespmem:s12+$0xFFFFFFF0] =	vst v14  }
.Ltmp3:
0xfd: {  	v5 =	vand.u32 $0xFFFFFC00, v5;
	s12 =	sadd.s32 $0x40, s12;
	v10 =	vshll.u32 v2, $0x3;
	v14 =	vadd.s32 $0x2000000, v3;
	[tilespmem:s16+$0xFFFFFE00] =	vst v4;
	(pc) =	sbr.rel @p0 .LBB2_8-.Ltmp3, $4  }
0xfe: {  	v15 =	vand.u32 $0xFFFF8000, v8;
	v11 =	vand.u32 $0xFFFFFC00, v11;
	v4 =	vshll.u32 v17, $0xC;
	[tilespmem:s12+$0x0] =	vst v14  }
0xff: {  	v13 =	vand.u32 $0xFFFF8000, v13;
	v10 =	vand.u32 $0xFFFFFC00, v10;
	v14 =	vand.u32 $0xFFFF8000, v4;
	[tilespmem:s16+$0xFFFFFBE0] =	vst v6  }
0x100: {  	v8 =	vshll.u32 v17, $0x7;
	v6 =	vshll.u32 v7, $0x7;
	v4 =	vshll.u32 v12, $0x7;
	[tilespmem:s16+$0xFFFFFBF0] =	vst v9;
	s16 =	smov.u32 s12  }
0x101: {  	s18 =	sadd.s32 $0x40, s18;
	v7 =	vadd.s32 v15, v11;
	v9 =	vadd.s32 v14, v5;
	v5 =	vadd.s32 v13, v10;
	[tilespmem:s12+$0xFFFFFC00] =	vst v3  }
0x102: {  	v8 =	vand.u32 $0x380, v8  }
0x103: {  	v0 =	vand.u32 $0x7F, v0;
	s10 =	sadd.s32 $0x40, s11;
	v3 =	vadd.s32 $0x1000000, v3;
	v8 =	vor.u32 v8, v9  }
0x104: {  	v6 =	vand.u32 $0x380, v6;
	s10 =	sand.u32 $0x1C0, s10;
	[tilespmem:s16+$0xFFFFFE00] =	vst v3;
	v0 =	vor.u32 v0, v8  }
0x105: {  	v1 =	vand.u32 $0x7F, v1;
	v6 =	vor.u32 v6, v7;
	[tilespmem:s10+$0x2A00] =	vst v0;
	v7 =	vadd.s32 $0x1000000, v0  }
0x106: {  	v4 =	vand.u32 $0x380, v4;
	v1 =	vor.u32 v1, v6;
	v0 =	vadd.s32 $0x2000000, v0;
	[tilespmem:s10+$0x2C00] =	vst v7  }
0x107: {  	v2 =	vand.u32 $0x7F, v2;
	v4 =	vor.u32 v4, v5;
	v5 =	vadd.s32 $0x1000000, v1;
	[tilespmem:s10+$0x2E00] =	vst v0  }
0x108: {  	v0 =	vor.u32 v2, v4;
	v2 =	vadd.s32 $0x2000000, v1;
	[tilespmem:s12+$0xFFFFFDE0] =	vst v5  }
0x109: {  	v4 =	vadd.s32 $0x1000000, v0;
	[tilespmem:s12+$0xFFFFFFE0] =	vst v2  }
0x10a: {  	v2 =	vadd.s32 $0x2000000, v0;
	[tilespmem:s12+$0xFFFFFDF0] =	vst v4  }
0x10b: {  	[tilespmem:s12+$0xFFFFFFF0] =	vst v2  }
0x10c: {  	[tilespmem:s16+$0xFFFFFBE0] =	vst v1  }
0x10d: {  	[tilespmem:s16+$0xFFFFFBF0] =	vst v0  }
0x10e: {  	[tilespmem:s23], [sflag:$0x8] =	stream.indirect.gather [hbm4b:s1+s15], $0x1, s22, s15, $0xb8;
	[tilespmem:$0x5800] =	vst v63  }
0x10f: {  	_ =	swait.ge [sflag:s24], $0x800  }
0x110: {  	[sflag:s24] =	ssyncset.done $0x0  }
0x111: {  	[sflag:s24] =	ssyncadd.s32 $0xFFFFF800  }
0x112: {  	_ =	swait.ge [sflag:s25], $0x800  }
0x113: {  	[sflag:s25] =	ssyncset.done $0x0  }
0x114: {  	[sflag:s25] =	ssyncadd.s32 $0xFFFFF800  }
0x115: {  	v0 =	vld [tilespmem:$0x5600]  }
0x116: {  	v1 =	vld [tilespmem:$0x5680]  }
0x117: {  	v2 =	vld [tilespmem:$0x5700]  }
0x118: {  	v3 =	vld [tilespmem:$0x5780];
	_ =	sdelay $0x1  }
0x119: {  	v4 =	vadd.f32 v0, v0  }
0x11a: {  	v5 =	vadd.f32 v1, v1  }
0x11b: {  	v0 =	vmul.f32 v4, v0;
	v4 =	vadd.f32 v2, v2  }
0x11c: {  	v1 =	vmul.f32 v5, v1;
	v5 =	vadd.f32 v3, v3  }
0x11d: {  	(erf) = vrcp.f32 v0;
	v0 =	vmul.f32 v4, v2  }
0x11e: {  	(erf) = vrcp.f32 v1;
	v1 =	vmul.f32 v5, v3  }
0x11f: {  	v7 =	vld [tilespmem:$0x5080];
	(erf) = vrcp.f32 v0  }
0x120: {  	v9 =	vld [tilespmem:$0x5100];
	(erf) = vrcp.f32 v1  }
0x121: {  	v10 =	vld [tilespmem:$0x5180]  }
0x122: {  	v8 =	vld [tilespmem:$0x5200]  }
0x123: {  	v11 =	vld [tilespmem:$0x5280]  }
0x124: {  	v6 =	vld [tilespmem:$0x5480]  }
0x125: {  	v4 =	vld [tilespmem:$0x5000]  }
0x126: {  	v2 =	vld [tilespmem:$0x5500];
	v12 =	vpop (erf)  }
0x127: {  	v5 =	vld [tilespmem:$0x5300];
	v13 =	vpop (erf)  }
0x128: {  	v3 =	vld [tilespmem:$0x5380];
	v14 =	vpop (erf)  }
0x129: {  	v0 =	vld [tilespmem:$0x5580];
	v15 =	vpop (erf)  }
0x12a: {  	v1 =	vld [tilespmem:$0x5400];
	_ =	swait.ge [sflag:s26], $0x600  }
0x12b: {  	[sflag:s26] =	ssyncset.done $0x0  }
0x12c: {  	s12 =	simm.s32 $0x10;
	[sflag:s26] =	ssyncadd.s32 $0xFFFFFA00  }
0x12d: {  	v18 =	vld [tilespmem:s12+$0x0]  }
0x12e: {  	v26 =	vld [tilespmem:s12+$0xFFFFFFF0];
	_ =	sdelay $0x3  }
0x12f: {  	v16 =	vmul.f32 v18, v18  }
0x130: {  	v12 =	vxor.u32 $0x80000000, v12;
	v17 =	vmul.f32 v26, v26  }
0x131: {  	v19 =	vmul.f32 v12, v16  }
0x132: {  	v20 =	vmul.f32 v12, v17  }
0x133: {  	v19 =	vmul.f32 $1.442695020e+00, v19  }
0x134: {  	v13 =	vxor.u32 $0x80000000, v13;
	v20 =	vmul.f32 $1.442695020e+00, v20  }
0x135: {  	v14 =	vxor.u32 $0x80000000, v14;
	(erf) = vpow2.f32 v19;
	v19 =	vmul.f32 v13, v16  }
0x136: {  	(erf) = vpow2.f32 v20;
	v20 =	vmul.f32 v14, v17  }
0x137: {  	v15 =	vxor.u32 $0x80000000, v15;
	v21 =	vmul.f32 v13, v17;
	v19 =	vmul.f32 $1.442695020e+00, v19  }
0x138: {  	s16 =	simm.s32 $0x30;
	v27 =	vmul.f32 v15, v16;
	v20 =	vmul.f32 $1.442695020e+00, v20  }
0x139: {  	(erf) = vpow2.f32 v19;
	v19 =	vmul.f32 v14, v16;
	v16 =	vld [tilespmem:s16+$0x0]  }
0x13a: {  	(erf) = vpow2.f32 v20;
	v20 =	vmul.f32 $1.442695020e+00, v21  }
0x13b: {  	v21 =	vmul.f32 v15, v17;
	v17 =	vmul.f32 $1.442695020e+00, v19  }
0x13c: {  	v27 =	vmul.f32 $1.442695020e+00, v27  }
0x13d: {  	v21 =	vmul.f32 $1.442695020e+00, v21;
	(erf) = vpow2.f32 v17  }
0x13e: {  	v22 =	vpop (erf);
	(erf) = vpow2.f32 v20;
	v29 =	vmul.f32 v16, v16  }
0x13f: {  	v23 =	vmul.f32 v22, v4;
	v19 =	vmul.f32 v22, v7  }
0x140: {  	v17 =	vld [tilespmem:s16+$0xFFFFFFF0];
	v24 =	vpop (erf);
	v20 =	vmul.f32 v22, v9;
	(erf) = vpow2.f32 v21  }
0x141: {  	v25 =	vmul.f32 v24, v4;
	v28 =	vmul.f32 v24, v9  }
0x142: {  	v24 =	vmul.f32 v24, v7;
	v32 =	vmul.f32 v14, v29  }
0x143: {  	v34 =	vmul.f32 v12, v29;
	v38 =	vmul.f32 v13, v29  }
0x144: {  	v29 =	vmul.f32 v15, v29;
	v21 =	vpop (erf);
	(erf) = vpow2.f32 v27  }
0x145: {  	v30 =	vmul.f32 v17, v17;
	v34 =	vmul.f32 $1.442695020e+00, v34  }
0x146: {  	v38 =	vmul.f32 $1.442695020e+00, v38;
	v63 =	vmul.f32 $1.442695020e+00, v32  }
0x147: {  	v22 =	vmul.f32 v21, v11;
	v27 =	vpop (erf);
	v36 =	vmul.f32 v21, v10  }
0x148: {  	v21 =	vmul.f32 v21, v8;
	v31 =	vmul.f32 v27, v5  }
0x149: {  	v33 =	vmul.f32 v27, v1;
	v35 =	vmul.f32 v12, v30  }
0x14a: {  	v27 =	vmul.f32 v27, v3;
	v54 =	vmul.f32 v14, v30  }
0x14b: {  	v41 =	vmul.f32 v13, v30;
	v37 =	vpop (erf);
	v35 =	vmul.f32 $1.442695020e+00, v35  }
0x14c: {  	v20 =	vadd.f32 v22, v20;
	(erf) = vpow2.f32 v34;
	v52 =	vmul.f32 v37, v1  }
0x14d: {  	v19 =	vadd.f32 v21, v19;
	v53 =	vmul.f32 v37, v5;
	v22 =	vpop (erf);
	v21 =	vmul.f32 v37, v3  }
0x14e: {  	(erf) = vpow2.f32 v35;
	v55 =	vmul.f32 v22, v11  }
0x14f: {  	vm0 =	vle.f32 v18, $5.000000000e+01;
	v39 =	vmul.f32 v22, v10;
	v35 =	vmul.f32 $1.442695020e+00, v54  }
0x150: {  	v23 =	vadd.f32 v36, v23;
	v56 =	vpop (erf);
	v42 =	vmul.f32 v22, v8;
	v22 =	vmul.f32 $1.442695020e+00, v41  }
0x151: {  	s17 =	simm.s32 $0x3000;
	v20 =	vadd.f32 v20, v52;
	v19 =	vadd.f32 v19, v21;
	v40 =	vmul.f32 v56, v2  }
0x152: {  	v43 =	vld [tilespmem:s17+$0x410];
	v57 =	vmul.f32 v56, v0;
	v34 =	vadd.f32 v23, v53;
	v25 =	vadd.f32 v39, v25  }
0x153: {  	v60 =	vld [tilespmem:s17+$0x210];
	v36 =	vmul.f32 v56, v6;
	v28 =	vadd.f32 v55, v28;
	v42 =	vadd.f32 v42, v24;
	v21 =	vpop (erf)  }
0x154: {  	v61 =	vld [tilespmem:s17+$0x10];
	v58 =	vmul.f32 v21, v0;
	v31 =	vadd.f32 v25, v31;
	v59 =	vmul.f32 v21, v2  }
0x155: {  	s18 =	simm.s32 $0x0;
	v45 =	vld [tilespmem:s17+$0x0];
	v44 =	vmul.f32 v21, v6;
	v62 =	vadd.f32 v42, v27;
	v33 =	vadd.f32 v28, v33  }
0x156: {  	s19 =	sand.u32 $0x1E0, s18;
	v25 =	vmul.f32 v15, v30;
	v30 =	vadd.f32 v19, v59;
	v18 =	vadd.f32 v20, v58;
	v23 =	vpop (erf)  }
0x157: {  	v27 =	vld [tilespmem:s19+$0x3200];
	v34 =	vadd.f32 v34, v44;
	v21 =	vmul.f32 v23, v4;
	v24 =	vpop (erf);
	(erf) = vpow2.f32 v38  }
0x158: {  	v28 =	vld [tilespmem:s19+$0x3400];
	v31 =	vadd.f32 v31, v36;
	v19 =	vmul.f32 v23, v7;
	(erf) = vpow2.f32 v35  }
0x159: {  	vm1 =	vle.f32 v26, $5.000000000e+01;
	v20 =	vmul.f32 v18, v43;
	v26 =	vmul.f32 v30, v60  }
0x15a: {  	s11 =	simm.s32 $0x4810;
	s18 =	simm.s32 $0x50;
	s10 =	simm.s32 $0x4810;
	v32 =	vadd.f32 v62, v40;
	v30 =	vmul.f32 v34, v61;
	v31 =	vmul.f32 v31, v45  }
0x15b: {  	s17 =	simm.s32 $0x2;
	s12 =	simm.s32 $0x3020;
	s16 =	simm.s32 $0x20;
	v33 =	vadd.f32 v33, v57;
	v18 =	vmul.f32 v24, v4;
	(erf) = vpow2.f32 v63  }
.LBB2_10:
0x15c: {  	v34 =	vld [tilespmem:s18+$0x0];
	s17 =	sadd.s32 $0x2, s17;
	v35 =	vmul.f32 v24, v9;
	v27 =	vmul.f32 v32, v27;
	v30 =	vadd.f32 $0.0e+00, v30;
	s10 =	sadd.s32 $0x20, s10  }
0x15d: {  	v25 =	vmul.f32 $1.442695020e+00, v25;
	v32 =	vld [tilespmem:s18+$0xFFFFFFF0];
	p0 =	slt.u32 s17, $0x1E;
	v31 =	vadd.f32 $0.0e+00, v31;
	v28 =	vmul.f32 v33, v28  }
0x15e: {  	v29 =	vmul.f32 $1.442695020e+00, v29;
	(erf) = vpow2.f32 v22;
	v22 =	vadd.f32 v30, v26  }
0x15f: {  	v23 =	vmul.f32 v23, v9;
	(erf) = vpow2.f32 v25;
	v25 =	vadd.f32 v31, v27  }
0x160: {  	v26 =	vmul.f32 v24, v7;
	v24 =	vpop (erf);
	(erf) = vpow2.f32 v29;
	v20 =	vadd.f32 v22, v20  }
0x161: {  	v29 =	vmul.f32 v34, v34;
	v22 =	vmul.f32 v24, v11;
	v27 =	vpop (erf);
	v25 =	vadd.f32 v25, v28  }
0x162: {  	v28 =	vmul.f32 v32, v32;
	v30 =	vmul.f32 v27, v5;
	v20 =	vnsel vm0, $0x0, v20  }
0x163: {  	v33 =	vmul.f32 v27, v1;
	v31 =	vmul.f32 v14, v29;
	v25 =	vnsel vm1, $0x0, v25;
	[tilespmem:s11+$0x0] =	vst v20  }
0x164: {  	v27 =	vmul.f32 v27, v3;
	v20 =	vmul.f32 v12, v29;
	v36 =	vpop (erf);
	[tilespmem:s11+$0xFFFFFFF0] =	vst v25;
	s11 =	smov.u32 s10  }
0x165: {  	v37 =	vmul.f32 v24, v10;
	v25 =	vmul.f32 v12, v28  }
0x166: {  	v40 =	vmul.f32 v24, v8;
	v20 =	vmul.f32 $1.442695020e+00, v20  }
0x167: {  	v21 =	vadd.f32 v37, v21;
	v37 =	vmul.f32 v36, v1;
	v25 =	vmul.f32 $1.442695020e+00, v25;
	v38 =	vpop (erf)  }
0x168: {  	v22 =	vadd.f32 v22, v23;
	(erf) = vpow2.f32 v20;
	v20 =	vmul.f32 v36, v5;
	v39 =	vpop (erf)  }
0x169: {  	v19 =	vadd.f32 v40, v19;
	v23 =	vmul.f32 v36, v3;
	(erf) = vpow2.f32 v25;
	v24 =	vpop (erf)  }
0x16a: {  	v37 =	vadd.f32 v22, v37;
	v36 =	vmul.f32 v38, v11;
	v25 =	vmul.f32 v14, v28  }
0x16b: {  	v40 =	vmul.f32 v13, v29;
	v19 =	vadd.f32 v19, v23;
	v22 =	vmul.f32 v38, v10  }
0x16c: {  	v41 =	vmul.f32 v39, v2;
	v35 =	vadd.f32 v36, v35;
	v36 =	vmul.f32 v39, v0  }
0x16d: {  	v23 =	vmul.f32 v13, v28;
	v18 =	vadd.f32 v22, v18;
	v42 =	vmul.f32 v24, v0  }
0x16e: {  	v38 =	vmul.f32 v38, v8;
	v20 =	vadd.f32 v21, v20;
	v43 =	vmul.f32 $1.442695020e+00, v25;
	v44 =	vld [tilespmem:s12+$0x410]  }
0x16f: {  	v22 =	vmul.f32 $1.442695020e+00, v23;
	v30 =	vadd.f32 v18, v30;
	v18 =	vmul.f32 v24, v2  }
0x170: {  	vm0 =	vle.f32 v16, $5.000000000e+01;
	v16 =	vmovc v34;
	v40 =	vmul.f32 $1.442695020e+00, v40;
	v45 =	vmul.f32 v24, v6;
	v46 =	vld [tilespmem:s12+$0x10]  }
0x171: {  	v25 =	vmul.f32 v15, v28;
	v34 =	vadd.f32 v19, v18;
	v18 =	vadd.f32 v37, v42;
	v23 =	vpop (erf);
	v47 =	vld [tilespmem:s12+$0x210]  }
0x172: {  	v26 =	vadd.f32 v38, v26;
	v28 =	vmul.f32 v39, v6;
	v21 =	vmul.f32 v23, v4;
	v24 =	vpop (erf);
	v37 =	vld [tilespmem:s12+$0x0]  }
0x173: {  	s19 =	sand.u32 $0x1E0, s16;
	v38 =	vadd.f32 v20, v45;
	v19 =	vmul.f32 v23, v7;
	v20 =	vmul.f32 v18, v44  }
.Ltmp4:
0x174: {  	v39 =	vadd.f32 v26, v27;
	v18 =	vmul.f32 v24, v4;
	(erf) = vpow2.f32 v40;
	v27 =	vld [tilespmem:s19+$0x3200];
	(pc) =	sbr.rel @p0 .LBB2_10-.Ltmp4, $4  }
0x175: {  	v33 =	vadd.f32 v35, v33;
	v40 =	vadd.f32 v30, v28;
	(erf) = vpow2.f32 v43;
	v28 =	vld [tilespmem:s19+$0x3400]  }
0x176: {  	vm1 =	vle.f32 v17, $5.000000000e+01;
	v17 =	vmovc v32;
	v31 =	vmul.f32 $1.442695020e+00, v31;
	s12 =	sadd.s32 $0x20, s12;
	v26 =	vmul.f32 v34, v47  }
0x177: {  	s16 =	sadd.s32 $0x20, s16;
	v29 =	vmul.f32 v15, v29;
	v32 =	vadd.f32 v39, v41;
	v30 =	vmul.f32 v38, v46  }
0x178: {  	s18 =	sadd.s32 $0x20, s18;
	v33 =	vadd.f32 v33, v36;
	(erf) = vpow2.f32 v31;
	v31 =	vmul.f32 v40, v37  }
0x179: {  	v25 =	vmul.f32 $1.442695020e+00, v25;
	(erf) = vpow2.f32 v22  }
0x17a: {  	v22 =	vmul.f32 $1.442695020e+00, v29  }
0x17b: {  	(erf) = vpow2.f32 v25  }
0x17c: {  	v23 =	vmul.f32 v23, v9;
	(erf) = vpow2.f32 v22  }
0x17d: {  	v31 =	vadd.f32 $0.0e+00, v31;
	v25 =	vmul.f32 v24, v9;
	v24 =	vmul.f32 v24, v7  }
0x17e: {  	v29 =	vadd.f32 $0.0e+00, v30;
	v22 =	vmul.f32 v32, v27;
	v27 =	vmul.f32 v33, v28;
	v28 =	vpop (erf)  }
0x17f: {  	v30 =	vpop (erf);
	v39 =	vmul.f32 v28, v11;
	v34 =	vmul.f32 v28, v10  }
0x180: {  	v26 =	vadd.f32 v29, v26;
	v28 =	vmul.f32 v28, v8;
	v40 =	vmul.f32 v30, v5  }
0x181: {  	v22 =	vadd.f32 v31, v22;
	v29 =	vmul.f32 v30, v1;
	v30 =	vmul.f32 v30, v3;
	v31 =	vpop (erf)  }
0x182: {  	v21 =	vadd.f32 v34, v21;
	v23 =	vadd.f32 v39, v23;
	v41 =	vmul.f32 v31, v1;
	v35 =	vpop (erf)  }
0x183: {  	v19 =	vadd.f32 v28, v19;
	v28 =	vmul.f32 v31, v3;
	v42 =	vmul.f32 v35, v10  }
0x184: {  	v31 =	vmul.f32 v31, v5;
	v37 =	vmul.f32 v35, v11;
	v36 =	vpop (erf);
	v23 =	vadd.f32 v23, v41  }
0x185: {  	v44 =	vld [tilespmem:s12+$0x10];
	v19 =	vadd.f32 v19, v28;
	v28 =	vmul.f32 v35, v8;
	v43 =	vpop (erf);
	v18 =	vadd.f32 v42, v18  }
0x186: {  	v38 =	vld [tilespmem:s12+$0x0];
	v21 =	vadd.f32 v21, v31;
	v45 =	vmul.f32 v36, v2;
	v31 =	vmul.f32 v43, v6  }
0x187: {  	v46 =	vld [tilespmem:s12+$0x210];
	s16 =	sand.u32 $0x1E0, s16;
	v24 =	vadd.f32 v28, v24;
	v28 =	vmul.f32 v36, v6;
	v18 =	vadd.f32 v18, v40  }
0x188: {  	v25 =	vadd.f32 v37, v25;
	v47 =	vmul.f32 v43, v2;
	v21 =	vadd.f32 v21, v31;
	v31 =	vld [tilespmem:s16+$0x3200]  }
0x189: {  	v36 =	vmul.f32 v36, v0;
	v24 =	vadd.f32 v24, v30;
	v30 =	vld [tilespmem:s12+$0x410];
	v18 =	vadd.f32 v18, v28  }
0x18a: {  	v48 =	vld [tilespmem:s16+$0x3400];
	v19 =	vadd.f32 v19, v47;
	v28 =	vmul.f32 v43, v0;
	v21 =	vmul.f32 v21, v44  }
0x18b: {  	v25 =	vadd.f32 v25, v29;
	v24 =	vadd.f32 v24, v45;
	v18 =	vmul.f32 v18, v38  }
0x18c: {  	v19 =	vmul.f32 v19, v46;
	v23 =	vadd.f32 v23, v28;
	v21 =	vadd.f32 $0.0e+00, v21  }
0x18d: {  	v25 =	vadd.f32 v25, v36;
	v24 =	vmul.f32 v24, v31;
	v18 =	vadd.f32 $0.0e+00, v18  }
0x18e: {  	v20 =	vadd.f32 v26, v20;
	v23 =	vmul.f32 v23, v30;
	v19 =	vadd.f32 v21, v19  }
0x18f: {  	v21 =	vadd.f32 v22, v27;
	v22 =	vmul.f32 v25, v48;
	v18 =	vadd.f32 v18, v24  }
0x190: {  	v20 =	vnsel vm0, $0x0, v20;
	v19 =	vadd.f32 v19, v23  }
0x191: {  	vm12 =	vle.f32 v16, $5.000000000e+01;
	[tilespmem:s11+$0x0] =	vst v20;
	v21 =	vnsel vm1, $0x0, v21;
	v16 =	vadd.f32 v18, v22  }
0x192: {  	s10 =	sadd.s32 $0x20, s10;
	vm13 =	vle.f32 v17, $5.000000000e+01;
	[tilespmem:s11+$0xFFFFFFF0] =	vst v21;
	v17 =	vnsel vm12, $0x0, v19  }
0x193: {  	v16 =	vnsel vm13, $0x0, v16;
	[tilespmem:s10+$0x0] =	vst v17  }
0x194: {  	[tilespmem:s10+$0xFFFFFFF0] =	vst v16  }
0x195: {  	_ =	swait.ge [sflag:s28], $0x600  }
0x196: {  	[sflag:s28] =	ssyncset.done $0x0  }
0x197: {  	s17 =	simm.s32 $0x210;
	[sflag:s28] =	ssyncadd.s32 $0xFFFFFA00  }
0x198: {  	v18 =	vld [tilespmem:s17+$0x0]  }
0x199: {  	v19 =	vld [tilespmem:s17+$0xFFFFFFF0];
	_ =	sdelay $0x3  }
0x19a: {  	v16 =	vmul.f32 v18, v18  }
0x19b: {  	v17 =	vmul.f32 v19, v19  }
0x19c: {  	v21 =	vmul.f32 v12, v16  }
0x19d: {  	v23 =	vmul.f32 v13, v17  }
0x19e: {  	v22 =	vmul.f32 v12, v17;
	v21 =	vmul.f32 $1.442695020e+00, v21  }
0x19f: {  	v24 =	vmul.f32 v14, v17;
	v23 =	vmul.f32 $1.442695020e+00, v23  }
0x1a0: {  	v22 =	vmul.f32 $1.442695020e+00, v22;
	(erf) = vpow2.f32 v21  }
0x1a1: {  	v21 =	vmul.f32 $1.442695020e+00, v24;
	(erf) = vpow2.f32 v23  }
0x1a2: {  	v20 =	vmul.f32 v13, v16;
	(erf) = vpow2.f32 v22  }
0x1a3: {  	v17 =	vmul.f32 v15, v17;
	(erf) = vpow2.f32 v21  }
0x1a4: {  	v21 =	vmul.f32 v14, v16;
	v16 =	vmul.f32 v15, v16  }
0x1a5: {  	v20 =	vmul.f32 $1.442695020e+00, v20  }
0x1a6: {  	v17 =	vmul.f32 $1.442695020e+00, v17;
	v16 =	vmul.f32 $1.442695020e+00, v16  }
0x1a7: {  	(erf) = vpow2.f32 v20;
	v20 =	vmul.f32 $1.442695020e+00, v21  }
0x1a8: {  	(erf) = vpow2.f32 v17  }
0x1a9: {  	(erf) = vpow2.f32 v20  }
0x1aa: {  	(erf) = vpow2.f32 v16;
	v16 =	vpop (erf)  }
0x1ab: {  	v20 =	vmul.f32 v16, v4;
	v21 =	vmul.f32 v16, v7;
	v17 =	vpop (erf)  }
0x1ac: {  	v23 =	vmul.f32 v16, v9;
	v22 =	vmul.f32 v17, v11  }
0x1ad: {  	v16 =	vpop (erf);
	v25 =	vmul.f32 v17, v8;
	v27 =	vmul.f32 v17, v10  }
0x1ae: {  	v24 =	vmul.f32 v16, v4;
	v26 =	vpop (erf);
	v17 =	vmul.f32 v16, v7  }
0x1af: {  	v29 =	vmul.f32 v16, v9;
	v31 =	vmul.f32 v26, v5  }
0x1b0: {  	s18 =	simm.s32 $0x230;
	v28 =	vpop (erf);
	v49 =	vmul.f32 v26, v3;
	v26 =	vmul.f32 v26, v1  }
0x1b1: {  	s19 =	simm.s32 $0x0;
	v16 =	vld [tilespmem:s18+$0x0];
	v30 =	vmul.f32 v28, v10;
	v50 =	vpop (erf);
	v52 =	vmul.f32 v28, v11;
	v22 =	vadd.f32 v22, v29  }
0x1b2: {  	s11 =	sand.u32 $0x1E0, s19;
	v25 =	vadd.f32 v25, v17;
	v28 =	vmul.f32 v28, v8;
	v17 =	vld [tilespmem:s18+$0xFFFFFFF0];
	v51 =	vmul.f32 v50, v6  }
0x1b3: {  	v56 =	vld [tilespmem:s11+$0x3A00];
	v54 =	vmul.f32 v50, v2;
	v53 =	vpop (erf);
	v22 =	vadd.f32 v22, v26;
	v26 =	vmul.f32 v50, v0  }
0x1b4: {  	v29 =	vpop (erf);
	v55 =	vmul.f32 v53, v1;
	v39 =	vmul.f32 v53, v3  }
0x1b5: {  	v36 =	vmul.f32 v53, v5;
	v57 =	vmul.f32 v29, v6  }
0x1b6: {  	v58 =	vmul.f32 v29, v2;
	v22 =	vadd.f32 v22, v26;
	v26 =	vmul.f32 v16, v16  }
0x1b7: {  	v20 =	vadd.f32 v30, v20;
	v29 =	vmul.f32 v29, v0;
	v30 =	vmul.f32 v17, v17  }
0x1b8: {  	v21 =	vadd.f32 v28, v21;
	v28 =	vmul.f32 v13, v26;
	v38 =	vmul.f32 v22, v56  }
0x1b9: {  	v22 =	vadd.f32 v27, v24;
	v27 =	vmul.f32 v12, v26;
	v62 =	vmul.f32 v14, v26  }
0x1ba: {  	vm14 =	vle.f32 v19, $5.000000000e+01;
	v26 =	vmul.f32 v15, v26;
	v24 =	vmul.f32 v14, v30  }
0x1bb: {  	v23 =	vadd.f32 v52, v23;
	v40 =	vmul.f32 v13, v30;
	v27 =	vmul.f32 $1.442695020e+00, v27  }
0x1bc: {  	s10 =	simm.s32 $0x3A10;
	v25 =	vadd.f32 v25, v49;
	v59 =	vmul.f32 v12, v30;
	v30 =	vmul.f32 v15, v30  }
0x1bd: {  	v20 =	vadd.f32 v20, v36;
	v60 =	vmul.f32 $1.442695020e+00, v40;
	(erf) = vpow2.f32 v27;
	v27 =	vld [tilespmem:s10+$0xFFFFFC00]  }
0x1be: {  	v22 =	vadd.f32 v22, v31;
	v28 =	vmul.f32 $1.442695020e+00, v28;
	v31 =	vmul.f32 $1.442695020e+00, v59  }
0x1bf: {  	v61 =	vld [tilespmem:s11+$0x3800];
	v21 =	vadd.f32 v21, v39;
	v24 =	vmul.f32 $1.442695020e+00, v24;
	(erf) = vpow2.f32 v60  }
0x1c0: {  	v20 =	vadd.f32 v20, v57;
	v32 =	vmul.f32 $1.442695020e+00, v62;
	(erf) = vpow2.f32 v31;
	v31 =	vld [tilespmem:s10+$0xFFFFFE00]  }
0x1c1: {  	v23 =	vadd.f32 v23, v55;
	v30 =	vmul.f32 $1.442695020e+00, v30;
	(erf) = vpow2.f32 v24;
	v24 =	vld [tilespmem:s11+$0x3600]  }
0x1c2: {  	v22 =	vadd.f32 v22, v51;
	(erf) = vpow2.f32 v28;
	v28 =	vld [tilespmem:s10+$0x0];
	v19 =	vmul.f32 v20, v27  }
0x1c3: {  	v21 =	vadd.f32 v21, v58;
	v20 =	vmul.f32 $1.442695020e+00, v26;
	(erf) = vpow2.f32 v30  }
0x1c4: {  	v25 =	vadd.f32 v25, v54;
	v23 =	vadd.f32 v23, v29;
	(erf) = vpow2.f32 v32  }
0x1c5: {  	v19 =	vadd.f32 $0.0e+00, v19;
	v21 =	vmul.f32 v21, v31;
	(erf) = vpow2.f32 v20  }
0x1c6: {  	vm15 =	vle.f32 v18, $5.000000000e+01;
	v20 =	vmul.f32 v22, v24;
	v24 =	vmul.f32 v25, v61;
	v22 =	vpop (erf)  }
0x1c7: {  	v21 =	vadd.f32 v19, v21;
	v25 =	vmul.f32 v23, v28;
	v19 =	vmul.f32 v22, v4  }
0x1c8: {  	v18 =	vmul.f32 v22, v7;
	v27 =	vpop (erf);
	v28 =	vadd.f32 $0.0e+00, v20;
	v23 =	vmul.f32 v22, v9  }
0x1c9: {  	v26 =	vmul.f32 v27, v11;
	v29 =	vpop (erf);
	v21 =	vadd.f32 v21, v25;
	v25 =	vmul.f32 v27, v8  }
0x1ca: {  	v22 =	vmul.f32 v27, v10;
	v20 =	vmul.f32 v29, v4;
	v24 =	vadd.f32 v28, v24  }
0x1cb: {  	v32 =	vpop (erf);
	v27 =	vmul.f32 v29, v7;
	v34 =	vmul.f32 v29, v9  }
0x1cc: {  	v33 =	vpop (erf);
	v21 =	vnsel vm15, $0x0, v21;
	v31 =	vmul.f32 v32, v3;
	v63 =	vadd.f32 v24, v38  }
0x1cd: {  	s11 =	simm.s32 $0x4A10;
	v28 =	vmul.f32 v33, v10;
	v24 =	vmul.f32 v32, v5;
	v30 =	vadd.f32 v25, v27;
	v25 =	vpop (erf)  }
0x1ce: {  	s16 =	simm.s32 $0x2;
	s12 =	simm.s32 $0x20;
	s17 =	simm.s32 $0x250;
	[tilespmem:s11+$0x0] =	vst v21;
	v35 =	vmul.f32 v33, v11;
	v21 =	vmul.f32 v25, v6;
	v29 =	vpop (erf);
	v27 =	vnsel vm14, $0x0, v63  }
.LBB2_12:
0x1cf: {  	v36 =	vld [tilespmem:s17+$0x0];
	s16 =	sadd.s32 $0x2, s16;
	v26 =	vadd.f32 v26, v34;
	v32 =	vmul.f32 v32, v1;
	v33 =	vmul.f32 v33, v8;
	v34 =	vpop (erf);
	[tilespmem:s11+$0xFFFFFFF0] =	vst v27;
	s10 =	sadd.s32 $0x20, s10;
	s11 =	sadd.s32 $0x20, s11  }
0x1d0: {  	s18 =	sand.u32 $0x1E0, s12;
	v37 =	vmul.f32 v25, v2;
	v27 =	vld [tilespmem:s17+$0xFFFFFFF0];
	p0 =	slt.u32 s16, $0x1E;
	v23 =	vadd.f32 v35, v23;
	v35 =	vmul.f32 v29, v1  }
0x1d1: {  	v30 =	vadd.f32 v30, v31;
	v25 =	vmul.f32 v25, v0;
	v26 =	vadd.f32 v26, v32;
	v31 =	vld [tilespmem:s18+$0x3A00]  }
0x1d2: {  	v19 =	vadd.f32 v28, v19;
	v28 =	vmul.f32 v34, v6;
	v32 =	vmul.f32 v34, v2  }
0x1d3: {  	v18 =	vadd.f32 v33, v18;
	v25 =	vadd.f32 v26, v25;
	v26 =	vmul.f32 v29, v3  }
0x1d4: {  	v20 =	vadd.f32 v22, v20;
	v22 =	vmul.f32 v34, v0;
	v33 =	vmul.f32 v36, v36  }
0x1d5: {  	v29 =	vmul.f32 v29, v5;
	v34 =	vmul.f32 v27, v27;
	v18 =	vadd.f32 v18, v26  }
0x1d6: {  	v20 =	vadd.f32 v20, v24;
	v26 =	vmul.f32 v13, v33;
	v24 =	vmul.f32 v25, v31  }
0x1d7: {  	v19 =	vadd.f32 v19, v29;
	v31 =	vmul.f32 v12, v33;
	v25 =	vmul.f32 v14, v34  }
0x1d8: {  	v20 =	vadd.f32 v20, v21;
	v29 =	vmul.f32 v12, v34;
	v38 =	vmul.f32 v13, v34  }
0x1d9: {  	v19 =	vadd.f32 v19, v28;
	v21 =	vmul.f32 $1.442695020e+00, v31;
	v26 =	vmul.f32 $1.442695020e+00, v26  }
0x1da: {  	v30 =	vadd.f32 v30, v37;
	v28 =	vmul.f32 $1.442695020e+00, v29;
	v29 =	vmul.f32 $1.442695020e+00, v38  }
0x1db: {  	v18 =	vadd.f32 v18, v32;
	v31 =	vmul.f32 v15, v34;
	(erf) = vpow2.f32 v21;
	v21 =	vld [tilespmem:s10+$0xFFFFFC00]  }
0x1dc: {  	v23 =	vadd.f32 v23, v35;
	v25 =	vmul.f32 $1.442695020e+00, v25;
	(erf) = vpow2.f32 v29;
	v29 =	vld [tilespmem:s18+$0x3800]  }
0x1dd: {  	v31 =	vmul.f32 $1.442695020e+00, v31;
	(erf) = vpow2.f32 v28;
	v28 =	vld [tilespmem:s10+$0xFFFFFE00]  }
0x1de: {  	v32 =	vmul.f32 v14, v33;
	(erf) = vpow2.f32 v25;
	v25 =	vld [tilespmem:s18+$0x3600]  }
0x1df: {  	v33 =	vmul.f32 v15, v33;
	(erf) = vpow2.f32 v26;
	v26 =	vld [tilespmem:s10+$0x0]  }
0x1e0: {  	vm0 =	vle.f32 v17, $5.000000000e+01;
	v17 =	vmovc v27;
	v32 =	vmul.f32 $1.442695020e+00, v32;
	v19 =	vmul.f32 v19, v21  }
0x1e1: {  	v22 =	vadd.f32 v23, v22;
	v27 =	vmul.f32 $1.442695020e+00, v33;
	(erf) = vpow2.f32 v31  }
0x1e2: {  	(erf) = vpow2.f32 v32;
	v19 =	vadd.f32 $0.0e+00, v19;
	v18 =	vmul.f32 v18, v28  }
0x1e3: {  	vm1 =	vle.f32 v16, $5.000000000e+01;
	v16 =	vmovc v36;
	(erf) = vpow2.f32 v27;
	v20 =	vmul.f32 v20, v25  }
0x1e4: {  	v25 =	vmul.f32 v30, v29;
	v21 =	vpop (erf);
	v27 =	vadd.f32 v19, v18;
	v22 =	vmul.f32 v22, v26  }
0x1e5: {  	v19 =	vmul.f32 v21, v4;
	v18 =	vmul.f32 v21, v7;
	v28 =	vpop (erf);
	v29 =	vadd.f32 $0.0e+00, v20  }
0x1e6: {  	v23 =	vmul.f32 v21, v9;
	v26 =	vmul.f32 v28, v11;
	v21 =	vpop (erf);
	v27 =	vadd.f32 v27, v22  }
.Ltmp5:
0x1e7: {  	v30 =	vmul.f32 v28, v8;
	v20 =	vmul.f32 v21, v4;
	v32 =	vpop (erf);
	v35 =	vadd.f32 v29, v25;
	(pc) =	sbr.rel @p0 .LBB2_12-.Ltmp5, $4  }
0x1e8: {  	s12 =	sadd.s32 $0x20, s12;
	v22 =	vmul.f32 v28, v10;
	v37 =	vmul.f32 v21, v7;
	v33 =	vpop (erf);
	v27 =	vnsel vm1, $0x0, v27  }
0x1e9: {  	v34 =	vmul.f32 v21, v9;
	v28 =	vmul.f32 v33, v10;
	v36 =	vadd.f32 v35, v24;
	[tilespmem:s11+$0x0] =	vst v27  }
0x1ea: {  	v31 =	vmul.f32 v32, v3;
	v24 =	vmul.f32 v32, v5;
	v30 =	vadd.f32 v30, v37;
	v25 =	vpop (erf)  }
0x1eb: {  	s17 =	sadd.s32 $0x20, s17;
	v35 =	vmul.f32 v33, v11;
	v21 =	vmul.f32 v25, v6;
	v29 =	vpop (erf);
	v27 =	vnsel vm0, $0x0, v36  }
0x1ec: {  	v26 =	vadd.f32 v26, v34;
	v32 =	vmul.f32 v32, v1;
	v33 =	vmul.f32 v33, v8  }
0x1ed: {  	s10 =	sadd.s32 $0x20, s10;
	v36 =	vmul.f32 v25, v2;
	v19 =	vadd.f32 v28, v19;
	v28 =	vmul.f32 v29, v5  }
0x1ee: {  	v45 =	vpop (erf);
	s12 =	sand.u32 $0x1E0, s12;
	v20 =	vadd.f32 v22, v20;
	v47 =	vmul.f32 v29, v3;
	v30 =	vadd.f32 v30, v31;
	v22 =	vld [tilespmem:s10+$0xFFFFFC00]  }
0x1ef: {  	v46 =	vmul.f32 v45, v6;
	v18 =	vadd.f32 v33, v18;
	v19 =	vadd.f32 v19, v28;
	v28 =	vld [tilespmem:s12+$0x3600]  }
0x1f0: {  	v29 =	vmul.f32 v29, v1;
	v23 =	vadd.f32 v35, v23;
	v20 =	vadd.f32 v20, v24;
	v24 =	vld [tilespmem:s10+$0xFFFFFE00]  }
0x1f1: {  	v31 =	vmul.f32 v45, v2;
	v48 =	vld [tilespmem:s12+$0x3800];
	v18 =	vadd.f32 v18, v47;
	v19 =	vadd.f32 v19, v46  }
0x1f2: {  	v49 =	vmul.f32 v45, v0;
	v26 =	vadd.f32 v26, v32;
	v20 =	vadd.f32 v20, v21;
	v21 =	vld [tilespmem:s10+$0x0]  }
0x1f3: {  	v50 =	vld [tilespmem:s12+$0x3A00];
	v23 =	vadd.f32 v23, v29;
	v18 =	vadd.f32 v18, v31;
	v19 =	vmul.f32 v19, v22  }
0x1f4: {  	v22 =	vmul.f32 v25, v0;
	v25 =	vadd.f32 v30, v36;
	v20 =	vmul.f32 v20, v28  }
0x1f5: {  	v23 =	vadd.f32 v23, v49;
	v19 =	vadd.f32 $0.0e+00, v19;
	v18 =	vmul.f32 v18, v24  }
0x1f6: {  	v22 =	vadd.f32 v26, v22;
	v24 =	vmul.f32 v25, v48;
	v20 =	vadd.f32 $0.0e+00, v20  }
0x1f7: {  	v18 =	vadd.f32 v19, v18;
	v19 =	vmul.f32 v23, v21  }
0x1f8: {  	v21 =	vmul.f32 v22, v50;
	v20 =	vadd.f32 v20, v24  }
0x1f9: {  	v18 =	vadd.f32 v18, v19  }
0x1fa: {  	vm0 =	vle.f32 v16, $5.000000000e+01;
	v16 =	vadd.f32 v20, v21  }
0x1fb: {  	[tilespmem:s11+$0xFFFFFFF0] =	vst v27;
	s16 =	sadd.s32 $0x20, s11;
	vm1 =	vle.f32 v17, $5.000000000e+01;
	v17 =	vnsel vm0, $0x0, v18  }
0x1fc: {  	[tilespmem:s16+$0x0] =	vst v17;
	v16 =	vnsel vm1, $0x0, v16  }
0x1fd: {  	[tilespmem:s16+$0xFFFFFFF0] =	vst v16  }
0x1fe: {  	_ =	swait.ge [sflag:s29], $0x600  }
0x1ff: {  	[sflag:s29] =	ssyncset.done $0x0  }
0x200: {  	s17 =	simm.s32 $0x410;
	[sflag:s29] =	ssyncadd.s32 $0xFFFFFA00  }
0x201: {  	v18 =	vld [tilespmem:s17+$0x0]  }
0x202: {  	v19 =	vld [tilespmem:s17+$0xFFFFFFF0];
	_ =	sdelay $0x3  }
0x203: {  	v16 =	vmul.f32 v18, v18  }
0x204: {  	v17 =	vmul.f32 v19, v19  }
0x205: {  	v21 =	vmul.f32 v12, v16  }
0x206: {  	v23 =	vmul.f32 v13, v17  }
0x207: {  	v22 =	vmul.f32 v12, v17;
	v21 =	vmul.f32 $1.442695020e+00, v21  }
0x208: {  	v24 =	vmul.f32 v14, v17;
	v23 =	vmul.f32 $1.442695020e+00, v23  }
0x209: {  	v22 =	vmul.f32 $1.442695020e+00, v22;
	(erf) = vpow2.f32 v21  }
0x20a: {  	v21 =	vmul.f32 $1.442695020e+00, v24;
	(erf) = vpow2.f32 v23  }
0x20b: {  	v20 =	vmul.f32 v13, v16;
	(erf) = vpow2.f32 v22  }
0x20c: {  	v17 =	vmul.f32 v15, v17;
	(erf) = vpow2.f32 v21  }
0x20d: {  	v21 =	vmul.f32 v14, v16;
	v16 =	vmul.f32 v15, v16  }
0x20e: {  	v20 =	vmul.f32 $1.442695020e+00, v20  }
0x20f: {  	v17 =	vmul.f32 $1.442695020e+00, v17;
	v16 =	vmul.f32 $1.442695020e+00, v16  }
0x210: {  	(erf) = vpow2.f32 v20;
	v20 =	vmul.f32 $1.442695020e+00, v21  }
0x211: {  	(erf) = vpow2.f32 v17  }
0x212: {  	(erf) = vpow2.f32 v20  }
0x213: {  	(erf) = vpow2.f32 v16;
	v16 =	vpop (erf)  }
0x214: {  	v20 =	vmul.f32 v16, v4;
	v21 =	vmul.f32 v16, v7;
	v17 =	vpop (erf)  }
0x215: {  	v23 =	vmul.f32 v16, v9;
	v22 =	vmul.f32 v17, v11  }
0x216: {  	v16 =	vpop (erf);
	v25 =	vmul.f32 v17, v8;
	v27 =	vmul.f32 v17, v10  }
0x217: {  	v24 =	vmul.f32 v16, v4;
	v26 =	vpop (erf);
	v17 =	vmul.f32 v16, v7  }
0x218: {  	v29 =	vmul.f32 v16, v9;
	v31 =	vmul.f32 v26, v5  }
0x219: {  	s18 =	simm.s32 $0x430;
	v28 =	vpop (erf);
	v51 =	vmul.f32 v26, v3;
	v26 =	vmul.f32 v26, v1  }
0x21a: {  	s19 =	simm.s32 $0x0;
	v16 =	vld [tilespmem:s18+$0x0];
	v30 =	vmul.f32 v28, v10;
	v52 =	vpop (erf);
	v54 =	vmul.f32 v28, v11;
	v22 =	vadd.f32 v22, v29  }
0x21b: {  	s11 =	sand.u32 $0x1E0, s19;
	v25 =	vadd.f32 v25, v17;
	v28 =	vmul.f32 v28, v8;
	v17 =	vld [tilespmem:s18+$0xFFFFFFF0];
	v53 =	vmul.f32 v52, v6  }
0x21c: {  	v38 =	vld [tilespmem:s11+$0x4000];
	v37 =	vmul.f32 v52, v2;
	v55 =	vpop (erf);
	v22 =	vadd.f32 v22, v26;
	v26 =	vmul.f32 v52, v0  }
0x21d: {  	v29 =	vpop (erf);
	v56 =	vmul.f32 v55, v1;
	v39 =	vmul.f32 v55, v3  }
0x21e: {  	v36 =	vmul.f32 v55, v5;
	v57 =	vmul.f32 v29, v6  }
0x21f: {  	v58 =	vmul.f32 v29, v2;
	v22 =	vadd.f32 v22, v26;
	v26 =	vmul.f32 v16, v16  }
0x220: {  	v20 =	vadd.f32 v30, v20;
	v29 =	vmul.f32 v29, v0;
	v30 =	vmul.f32 v17, v17  }
0x221: {  	v21 =	vadd.f32 v28, v21;
	v28 =	vmul.f32 v13, v26;
	v38 =	vmul.f32 v22, v38  }
0x222: {  	v22 =	vadd.f32 v27, v24;
	v27 =	vmul.f32 v12, v26;
	v62 =	vmul.f32 v14, v26  }
0x223: {  	vm14 =	vle.f32 v19, $5.000000000e+01;
	v26 =	vmul.f32 v15, v26;
	v24 =	vmul.f32 v14, v30  }
0x224: {  	v23 =	vadd.f32 v54, v23;
	v40 =	vmul.f32 v13, v30;
	v27 =	vmul.f32 $1.442695020e+00, v27  }
0x225: {  	s10 =	simm.s32 $0x4010;
	v25 =	vadd.f32 v25, v51;
	v59 =	vmul.f32 v12, v30;
	v30 =	vmul.f32 v15, v30  }
0x226: {  	v20 =	vadd.f32 v20, v36;
	v60 =	vmul.f32 $1.442695020e+00, v40;
	(erf) = vpow2.f32 v27;
	v27 =	vld [tilespmem:s10+$0xFFFFFC00]  }
0x227: {  	v22 =	vadd.f32 v22, v31;
	v28 =	vmul.f32 $1.442695020e+00, v28;
	v31 =	vmul.f32 $1.442695020e+00, v59  }
0x228: {  	v61 =	vld [tilespmem:s11+$0x3E00];
	v21 =	vadd.f32 v21, v39;
	v24 =	vmul.f32 $1.442695020e+00, v24;
	(erf) = vpow2.f32 v60  }
0x229: {  	v20 =	vadd.f32 v20, v57;
	v32 =	vmul.f32 $1.442695020e+00, v62;
	(erf) = vpow2.f32 v31;
	v31 =	vld [tilespmem:s10+$0xFFFFFE00]  }
0x22a: {  	v23 =	vadd.f32 v23, v56;
	v30 =	vmul.f32 $1.442695020e+00, v30;
	(erf) = vpow2.f32 v24;
	v24 =	vld [tilespmem:s11+$0x3C00]  }
0x22b: {  	v22 =	vadd.f32 v22, v53;
	(erf) = vpow2.f32 v28;
	v28 =	vld [tilespmem:s10+$0x0];
	v19 =	vmul.f32 v20, v27  }
0x22c: {  	v21 =	vadd.f32 v21, v58;
	v20 =	vmul.f32 $1.442695020e+00, v26;
	(erf) = vpow2.f32 v30  }
0x22d: {  	v25 =	vadd.f32 v25, v37;
	v23 =	vadd.f32 v23, v29;
	(erf) = vpow2.f32 v32  }
0x22e: {  	v19 =	vadd.f32 $0.0e+00, v19;
	v21 =	vmul.f32 v21, v31;
	(erf) = vpow2.f32 v20  }
0x22f: {  	vm15 =	vle.f32 v18, $5.000000000e+01;
	v20 =	vmul.f32 v22, v24;
	v24 =	vmul.f32 v25, v61;
	v22 =	vpop (erf)  }
0x230: {  	v21 =	vadd.f32 v19, v21;
	v25 =	vmul.f32 v23, v28;
	v19 =	vmul.f32 v22, v4  }
0x231: {  	v18 =	vmul.f32 v22, v7;
	v27 =	vpop (erf);
	v28 =	vadd.f32 $0.0e+00, v20;
	v23 =	vmul.f32 v22, v9  }
0x232: {  	v26 =	vmul.f32 v27, v11;
	v29 =	vpop (erf);
	v21 =	vadd.f32 v21, v25;
	v25 =	vmul.f32 v27, v8  }
0x233: {  	v22 =	vmul.f32 v27, v10;
	v20 =	vmul.f32 v29, v4;
	v24 =	vadd.f32 v28, v24  }
0x234: {  	v32 =	vpop (erf);
	v27 =	vmul.f32 v29, v7;
	v34 =	vmul.f32 v29, v9  }
0x235: {  	v33 =	vpop (erf);
	v21 =	vnsel vm15, $0x0, v21;
	v31 =	vmul.f32 v32, v3;
	v63 =	vadd.f32 v24, v38  }
0x236: {  	s11 =	simm.s32 $0x4C10;
	v28 =	vmul.f32 v33, v10;
	v24 =	vmul.f32 v32, v5;
	v30 =	vadd.f32 v25, v27;
	v25 =	vpop (erf)  }
0x237: {  	s12 =	simm.s32 $0x20;
	s16 =	simm.s32 $0x2;
	s17 =	simm.s32 $0x450;
	[tilespmem:s11+$0x0] =	vst v21;
	v35 =	vmul.f32 v33, v11;
	v21 =	vmul.f32 v25, v6;
	v29 =	vpop (erf);
	v27 =	vnsel vm14, $0x0, v63  }
.LBB2_14:
0x238: {  	v36 =	vld [tilespmem:s17+$0x0];
	s16 =	sadd.s32 $0x2, s16;
	v26 =	vadd.f32 v26, v34;
	v32 =	vmul.f32 v32, v1;
	v33 =	vmul.f32 v33, v8;
	v34 =	vpop (erf);
	[tilespmem:s11+$0xFFFFFFF0] =	vst v27;
	s10 =	sadd.s32 $0x20, s10;
	s11 =	sadd.s32 $0x20, s11  }
0x239: {  	s18 =	sand.u32 $0x1E0, s12;
	v37 =	vmul.f32 v25, v2;
	v27 =	vld [tilespmem:s17+$0xFFFFFFF0];
	p0 =	slt.u32 s16, $0x1E;
	v23 =	vadd.f32 v35, v23;
	v35 =	vmul.f32 v29, v1  }
0x23a: {  	v30 =	vadd.f32 v30, v31;
	v25 =	vmul.f32 v25, v0;
	v26 =	vadd.f32 v26, v32;
	v31 =	vld [tilespmem:s18+$0x4000]  }
0x23b: {  	v19 =	vadd.f32 v28, v19;
	v28 =	vmul.f32 v34, v6;
	v32 =	vmul.f32 v34, v2  }
0x23c: {  	v18 =	vadd.f32 v33, v18;
	v25 =	vadd.f32 v26, v25;
	v26 =	vmul.f32 v29, v3  }
0x23d: {  	v20 =	vadd.f32 v22, v20;
	v22 =	vmul.f32 v34, v0;
	v33 =	vmul.f32 v36, v36  }
0x23e: {  	v29 =	vmul.f32 v29, v5;
	v34 =	vmul.f32 v27, v27;
	v18 =	vadd.f32 v18, v26  }
0x23f: {  	v20 =	vadd.f32 v20, v24;
	v26 =	vmul.f32 v13, v33;
	v24 =	vmul.f32 v25, v31  }
0x240: {  	v19 =	vadd.f32 v19, v29;
	v31 =	vmul.f32 v12, v33;
	v25 =	vmul.f32 v14, v34  }
0x241: {  	v20 =	vadd.f32 v20, v21;
	v29 =	vmul.f32 v12, v34;
	v38 =	vmul.f32 v13, v34  }
0x242: {  	v19 =	vadd.f32 v19, v28;
	v21 =	vmul.f32 $1.442695020e+00, v31;
	v26 =	vmul.f32 $1.442695020e+00, v26  }
0x243: {  	v30 =	vadd.f32 v30, v37;
	v28 =	vmul.f32 $1.442695020e+00, v29;
	v29 =	vmul.f32 $1.442695020e+00, v38  }
0x244: {  	v18 =	vadd.f32 v18, v32;
	v31 =	vmul.f32 v15, v34;
	(erf) = vpow2.f32 v21;
	v21 =	vld [tilespmem:s10+$0xFFFFFC00]  }
0x245: {  	v23 =	vadd.f32 v23, v35;
	v25 =	vmul.f32 $1.442695020e+00, v25;
	(erf) = vpow2.f32 v29;
	v29 =	vld [tilespmem:s18+$0x3E00]  }
0x246: {  	v31 =	vmul.f32 $1.442695020e+00, v31;
	(erf) = vpow2.f32 v28;
	v28 =	vld [tilespmem:s10+$0xFFFFFE00]  }
0x247: {  	v32 =	vmul.f32 v14, v33;
	(erf) = vpow2.f32 v25;
	v25 =	vld [tilespmem:s18+$0x3C00]  }
0x248: {  	v33 =	vmul.f32 v15, v33;
	(erf) = vpow2.f32 v26;
	v26 =	vld [tilespmem:s10+$0x0]  }
0x249: {  	vm0 =	vle.f32 v17, $5.000000000e+01;
	v17 =	vmovc v27;
	v32 =	vmul.f32 $1.442695020e+00, v32;
	v19 =	vmul.f32 v19, v21  }
0x24a: {  	v22 =	vadd.f32 v23, v22;
	v27 =	vmul.f32 $1.442695020e+00, v33;
	(erf) = vpow2.f32 v31  }
0x24b: {  	(erf) = vpow2.f32 v32;
	v19 =	vadd.f32 $0.0e+00, v19;
	v18 =	vmul.f32 v18, v28  }
0x24c: {  	vm1 =	vle.f32 v16, $5.000000000e+01;
	v16 =	vmovc v36;
	(erf) = vpow2.f32 v27;
	v20 =	vmul.f32 v20, v25  }
0x24d: {  	v25 =	vmul.f32 v30, v29;
	v21 =	vpop (erf);
	v27 =	vadd.f32 v19, v18;
	v22 =	vmul.f32 v22, v26  }
0x24e: {  	v19 =	vmul.f32 v21, v4;
	v18 =	vmul.f32 v21, v7;
	v28 =	vpop (erf);
	v29 =	vadd.f32 $0.0e+00, v20  }
0x24f: {  	v23 =	vmul.f32 v21, v9;
	v26 =	vmul.f32 v28, v11;
	v21 =	vpop (erf);
	v27 =	vadd.f32 v27, v22  }
.Ltmp6:
0x250: {  	v30 =	vmul.f32 v28, v8;
	v20 =	vmul.f32 v21, v4;
	v32 =	vpop (erf);
	v35 =	vadd.f32 v29, v25;
	(pc) =	sbr.rel @p0 .LBB2_14-.Ltmp6, $4  }
0x251: {  	s12 =	sadd.s32 $0x20, s12;
	v22 =	vmul.f32 v28, v10;
	v37 =	vmul.f32 v21, v7;
	v33 =	vpop (erf);
	v27 =	vnsel vm1, $0x0, v27  }
0x252: {  	v34 =	vmul.f32 v21, v9;
	v28 =	vmul.f32 v33, v10;
	v36 =	vadd.f32 v35, v24;
	[tilespmem:s11+$0x0] =	vst v27  }
0x253: {  	v31 =	vmul.f32 v32, v3;
	v24 =	vmul.f32 v32, v5;
	v30 =	vadd.f32 v30, v37;
	v25 =	vpop (erf)  }
0x254: {  	s17 =	sadd.s32 $0x20, s17;
	v35 =	vmul.f32 v33, v11;
	v21 =	vmul.f32 v25, v6;
	v29 =	vpop (erf);
	v27 =	vnsel vm0, $0x0, v36  }
0x255: {  	v26 =	vadd.f32 v26, v34;
	v32 =	vmul.f32 v32, v1;
	v33 =	vmul.f32 v33, v8  }
0x256: {  	s10 =	sadd.s32 $0x20, s10;
	v36 =	vmul.f32 v25, v2;
	v19 =	vadd.f32 v28, v19;
	v28 =	vmul.f32 v29, v5  }
0x257: {  	v45 =	vpop (erf);
	s12 =	sand.u32 $0x1E0, s12;
	v20 =	vadd.f32 v22, v20;
	v47 =	vmul.f32 v29, v3;
	v30 =	vadd.f32 v30, v31;
	v22 =	vld [tilespmem:s10+$0xFFFFFC00]  }
0x258: {  	v46 =	vmul.f32 v45, v6;
	v18 =	vadd.f32 v33, v18;
	v19 =	vadd.f32 v19, v28;
	v28 =	vld [tilespmem:s12+$0x3C00]  }
0x259: {  	v29 =	vmul.f32 v29, v1;
	v23 =	vadd.f32 v35, v23;
	v20 =	vadd.f32 v20, v24;
	v24 =	vld [tilespmem:s10+$0xFFFFFE00]  }
0x25a: {  	v31 =	vmul.f32 v45, v2;
	v48 =	vld [tilespmem:s12+$0x3E00];
	v18 =	vadd.f32 v18, v47;
	v19 =	vadd.f32 v19, v46  }
0x25b: {  	v49 =	vmul.f32 v45, v0;
	v26 =	vadd.f32 v26, v32;
	v20 =	vadd.f32 v20, v21;
	v21 =	vld [tilespmem:s10+$0x0]  }
0x25c: {  	v50 =	vld [tilespmem:s12+$0x4000];
	v23 =	vadd.f32 v23, v29;
	v18 =	vadd.f32 v18, v31;
	v19 =	vmul.f32 v19, v22  }
0x25d: {  	v22 =	vmul.f32 v25, v0;
	v25 =	vadd.f32 v30, v36;
	v20 =	vmul.f32 v20, v28  }
0x25e: {  	v23 =	vadd.f32 v23, v49;
	v19 =	vadd.f32 $0.0e+00, v19;
	v18 =	vmul.f32 v18, v24  }
0x25f: {  	v22 =	vadd.f32 v26, v22;
	v24 =	vmul.f32 v25, v48;
	v20 =	vadd.f32 $0.0e+00, v20  }
0x260: {  	v18 =	vadd.f32 v19, v18;
	v19 =	vmul.f32 v23, v21  }
0x261: {  	v21 =	vmul.f32 v22, v50;
	v20 =	vadd.f32 v20, v24  }
0x262: {  	v18 =	vadd.f32 v18, v19  }
0x263: {  	vm0 =	vle.f32 v16, $5.000000000e+01;
	v16 =	vadd.f32 v20, v21  }
0x264: {  	[tilespmem:s11+$0xFFFFFFF0] =	vst v27;
	s16 =	sadd.s32 $0x20, s11;
	vm1 =	vle.f32 v17, $5.000000000e+01;
	v17 =	vnsel vm0, $0x0, v18  }
0x265: {  	[tilespmem:s16+$0x0] =	vst v17;
	v16 =	vnsel vm1, $0x0, v16  }
0x266: {  	[tilespmem:s16+$0xFFFFFFF0] =	vst v16  }
0x267: {  	_ =	swait.ge [sflag:s30], $0x600  }
0x268: {  	[sflag:s30] =	ssyncset.done $0x0  }
0x269: {  	s17 =	simm.s32 $0x610;
	[sflag:s30] =	ssyncadd.s32 $0xFFFFFA00  }
0x26a: {  	v18 =	vld [tilespmem:s17+$0x0]  }
0x26b: {  	v19 =	vld [tilespmem:s17+$0xFFFFFFF0];
	_ =	sdelay $0x3  }
0x26c: {  	v16 =	vmul.f32 v18, v18  }
0x26d: {  	v17 =	vmul.f32 v19, v19  }
0x26e: {  	v21 =	vmul.f32 v12, v16  }
0x26f: {  	v23 =	vmul.f32 v13, v17  }
0x270: {  	v22 =	vmul.f32 v12, v17;
	v21 =	vmul.f32 $1.442695020e+00, v21  }
0x271: {  	v24 =	vmul.f32 v14, v17;
	v23 =	vmul.f32 $1.442695020e+00, v23  }
0x272: {  	v22 =	vmul.f32 $1.442695020e+00, v22;
	(erf) = vpow2.f32 v21  }
0x273: {  	v21 =	vmul.f32 $1.442695020e+00, v24;
	(erf) = vpow2.f32 v23  }
0x274: {  	v20 =	vmul.f32 v13, v16;
	(erf) = vpow2.f32 v22  }
0x275: {  	v17 =	vmul.f32 v15, v17;
	(erf) = vpow2.f32 v21  }
0x276: {  	v21 =	vmul.f32 v14, v16;
	v16 =	vmul.f32 v15, v16  }
0x277: {  	v20 =	vmul.f32 $1.442695020e+00, v20  }
0x278: {  	v17 =	vmul.f32 $1.442695020e+00, v17;
	v16 =	vmul.f32 $1.442695020e+00, v16  }
0x279: {  	(erf) = vpow2.f32 v20;
	v20 =	vmul.f32 $1.442695020e+00, v21  }
0x27a: {  	(erf) = vpow2.f32 v17  }
0x27b: {  	(erf) = vpow2.f32 v20  }
0x27c: {  	(erf) = vpow2.f32 v16;
	v16 =	vpop (erf)  }
0x27d: {  	v20 =	vmul.f32 v16, v4;
	v21 =	vmul.f32 v16, v7;
	v17 =	vpop (erf)  }
0x27e: {  	v23 =	vmul.f32 v16, v9;
	v22 =	vmul.f32 v17, v11  }
0x27f: {  	v16 =	vpop (erf);
	v25 =	vmul.f32 v17, v8;
	v27 =	vmul.f32 v17, v10  }
0x280: {  	v24 =	vmul.f32 v16, v4;
	v26 =	vpop (erf);
	v17 =	vmul.f32 v16, v7  }
0x281: {  	v29 =	vmul.f32 v16, v9;
	v31 =	vmul.f32 v26, v5  }
0x282: {  	s18 =	simm.s32 $0x630;
	v28 =	vpop (erf);
	v51 =	vmul.f32 v26, v3;
	v26 =	vmul.f32 v26, v1  }
0x283: {  	s19 =	simm.s32 $0x0;
	v16 =	vld [tilespmem:s18+$0x0];
	v30 =	vmul.f32 v28, v10;
	v52 =	vpop (erf);
	v54 =	vmul.f32 v28, v11;
	v22 =	vadd.f32 v22, v29  }
0x284: {  	s11 =	sand.u32 $0x1E0, s19;
	v25 =	vadd.f32 v25, v17;
	v28 =	vmul.f32 v28, v8;
	v17 =	vld [tilespmem:s18+$0xFFFFFFF0];
	v53 =	vmul.f32 v52, v6  }
0x285: {  	v38 =	vld [tilespmem:s11+$0x4600];
	v37 =	vmul.f32 v52, v2;
	v55 =	vpop (erf);
	v22 =	vadd.f32 v22, v26;
	v26 =	vmul.f32 v52, v0  }
0x286: {  	v29 =	vpop (erf);
	v56 =	vmul.f32 v55, v1;
	v39 =	vmul.f32 v55, v3  }
0x287: {  	v36 =	vmul.f32 v55, v5;
	v57 =	vmul.f32 v29, v6  }
0x288: {  	v58 =	vmul.f32 v29, v2;
	v22 =	vadd.f32 v22, v26;
	v26 =	vmul.f32 v16, v16  }
0x289: {  	v20 =	vadd.f32 v30, v20;
	v29 =	vmul.f32 v29, v0;
	v30 =	vmul.f32 v17, v17  }
0x28a: {  	v21 =	vadd.f32 v28, v21;
	v28 =	vmul.f32 v13, v26;
	v38 =	vmul.f32 v22, v38  }
0x28b: {  	v22 =	vadd.f32 v27, v24;
	v27 =	vmul.f32 v12, v26;
	v62 =	vmul.f32 v14, v26  }
0x28c: {  	vm14 =	vle.f32 v19, $5.000000000e+01;
	v26 =	vmul.f32 v15, v26;
	v24 =	vmul.f32 v14, v30  }
0x28d: {  	v23 =	vadd.f32 v54, v23;
	v40 =	vmul.f32 v13, v30;
	v27 =	vmul.f32 $1.442695020e+00, v27  }
0x28e: {  	s10 =	simm.s32 $0x4610;
	v25 =	vadd.f32 v25, v51;
	v59 =	vmul.f32 v12, v30;
	v30 =	vmul.f32 v15, v30  }
0x28f: {  	v20 =	vadd.f32 v20, v36;
	v60 =	vmul.f32 $1.442695020e+00, v40;
	(erf) = vpow2.f32 v27;
	v27 =	vld [tilespmem:s10+$0xFFFFFC00]  }
0x290: {  	v22 =	vadd.f32 v22, v31;
	v28 =	vmul.f32 $1.442695020e+00, v28;
	v31 =	vmul.f32 $1.442695020e+00, v59  }
0x291: {  	v61 =	vld [tilespmem:s11+$0x4400];
	v21 =	vadd.f32 v21, v39;
	v24 =	vmul.f32 $1.442695020e+00, v24;
	(erf) = vpow2.f32 v60  }
0x292: {  	v20 =	vadd.f32 v20, v57;
	v32 =	vmul.f32 $1.442695020e+00, v62;
	(erf) = vpow2.f32 v31;
	v31 =	vld [tilespmem:s10+$0xFFFFFE00]  }
0x293: {  	v23 =	vadd.f32 v23, v56;
	v30 =	vmul.f32 $1.442695020e+00, v30;
	(erf) = vpow2.f32 v24;
	v24 =	vld [tilespmem:s11+$0x4200]  }
0x294: {  	v22 =	vadd.f32 v22, v53;
	(erf) = vpow2.f32 v28;
	v28 =	vld [tilespmem:s10+$0x0];
	v19 =	vmul.f32 v20, v27  }
0x295: {  	v21 =	vadd.f32 v21, v58;
	v20 =	vmul.f32 $1.442695020e+00, v26;
	(erf) = vpow2.f32 v30  }
0x296: {  	v25 =	vadd.f32 v25, v37;
	v23 =	vadd.f32 v23, v29;
	(erf) = vpow2.f32 v32  }
0x297: {  	v19 =	vadd.f32 $0.0e+00, v19;
	v21 =	vmul.f32 v21, v31;
	(erf) = vpow2.f32 v20  }
0x298: {  	vm15 =	vle.f32 v18, $5.000000000e+01;
	v20 =	vmul.f32 v22, v24;
	v24 =	vmul.f32 v25, v61;
	v22 =	vpop (erf)  }
0x299: {  	v21 =	vadd.f32 v19, v21;
	v25 =	vmul.f32 v23, v28;
	v19 =	vmul.f32 v22, v4  }
0x29a: {  	v18 =	vmul.f32 v22, v7;
	v27 =	vpop (erf);
	v28 =	vadd.f32 $0.0e+00, v20;
	v23 =	vmul.f32 v22, v9  }
0x29b: {  	v26 =	vmul.f32 v27, v11;
	v29 =	vpop (erf);
	v21 =	vadd.f32 v21, v25;
	v25 =	vmul.f32 v27, v8  }
0x29c: {  	v22 =	vmul.f32 v27, v10;
	v20 =	vmul.f32 v29, v4;
	v24 =	vadd.f32 v28, v24  }
0x29d: {  	v32 =	vpop (erf);
	v27 =	vmul.f32 v29, v7;
	v34 =	vmul.f32 v29, v9  }
0x29e: {  	v33 =	vpop (erf);
	v21 =	vnsel vm15, $0x0, v21;
	v31 =	vmul.f32 v32, v3;
	v63 =	vadd.f32 v24, v38  }
0x29f: {  	s11 =	simm.s32 $0x4E10;
	v28 =	vmul.f32 v33, v10;
	v24 =	vmul.f32 v32, v5;
	v30 =	vadd.f32 v25, v27;
	v25 =	vpop (erf)  }
0x2a0: {  	s12 =	simm.s32 $0x20;
	s16 =	simm.s32 $0x2;
	s17 =	simm.s32 $0x650;
	[tilespmem:s11+$0x0] =	vst v21;
	v35 =	vmul.f32 v33, v11;
	v21 =	vmul.f32 v25, v6;
	v29 =	vpop (erf);
	v27 =	vnsel vm14, $0x0, v63  }
.LBB2_16:
0x2a1: {  	v36 =	vld [tilespmem:s17+$0x0];
	s16 =	sadd.s32 $0x2, s16;
	v26 =	vadd.f32 v26, v34;
	v32 =	vmul.f32 v32, v1;
	v33 =	vmul.f32 v33, v8;
	v34 =	vpop (erf);
	[tilespmem:s11+$0xFFFFFFF0] =	vst v27;
	s10 =	sadd.s32 $0x20, s10;
	s11 =	sadd.s32 $0x20, s11  }
0x2a2: {  	s18 =	sand.u32 $0x1E0, s12;
	v37 =	vmul.f32 v25, v2;
	v27 =	vld [tilespmem:s17+$0xFFFFFFF0];
	p0 =	slt.u32 s16, $0x1E;
	v23 =	vadd.f32 v35, v23;
	v35 =	vmul.f32 v29, v1  }
0x2a3: {  	v30 =	vadd.f32 v30, v31;
	v25 =	vmul.f32 v25, v0;
	v26 =	vadd.f32 v26, v32;
	v31 =	vld [tilespmem:s18+$0x4600]  }
0x2a4: {  	v19 =	vadd.f32 v28, v19;
	v28 =	vmul.f32 v34, v6;
	v32 =	vmul.f32 v34, v2  }
0x2a5: {  	v18 =	vadd.f32 v33, v18;
	v25 =	vadd.f32 v26, v25;
	v26 =	vmul.f32 v29, v3  }
0x2a6: {  	v20 =	vadd.f32 v22, v20;
	v22 =	vmul.f32 v34, v0;
	v33 =	vmul.f32 v36, v36  }
0x2a7: {  	v29 =	vmul.f32 v29, v5;
	v34 =	vmul.f32 v27, v27;
	v18 =	vadd.f32 v18, v26  }
0x2a8: {  	v20 =	vadd.f32 v20, v24;
	v26 =	vmul.f32 v13, v33;
	v24 =	vmul.f32 v25, v31  }
0x2a9: {  	v19 =	vadd.f32 v19, v29;
	v31 =	vmul.f32 v12, v33;
	v25 =	vmul.f32 v14, v34  }
0x2aa: {  	v20 =	vadd.f32 v20, v21;
	v29 =	vmul.f32 v12, v34;
	v38 =	vmul.f32 v13, v34  }
0x2ab: {  	v19 =	vadd.f32 v19, v28;
	v21 =	vmul.f32 $1.442695020e+00, v31;
	v26 =	vmul.f32 $1.442695020e+00, v26  }
0x2ac: {  	v30 =	vadd.f32 v30, v37;
	v28 =	vmul.f32 $1.442695020e+00, v29;
	v29 =	vmul.f32 $1.442695020e+00, v38  }
0x2ad: {  	v18 =	vadd.f32 v18, v32;
	v31 =	vmul.f32 v15, v34;
	(erf) = vpow2.f32 v21;
	v21 =	vld [tilespmem:s10+$0xFFFFFC00]  }
0x2ae: {  	v23 =	vadd.f32 v23, v35;
	v25 =	vmul.f32 $1.442695020e+00, v25;
	(erf) = vpow2.f32 v29;
	v29 =	vld [tilespmem:s18+$0x4400]  }
0x2af: {  	v31 =	vmul.f32 $1.442695020e+00, v31;
	(erf) = vpow2.f32 v28;
	v28 =	vld [tilespmem:s10+$0xFFFFFE00]  }
0x2b0: {  	v32 =	vmul.f32 v14, v33;
	(erf) = vpow2.f32 v25;
	v25 =	vld [tilespmem:s18+$0x4200]  }
0x2b1: {  	v33 =	vmul.f32 v15, v33;
	(erf) = vpow2.f32 v26;
	v26 =	vld [tilespmem:s10+$0x0]  }
0x2b2: {  	vm0 =	vle.f32 v17, $5.000000000e+01;
	v17 =	vmovc v27;
	v32 =	vmul.f32 $1.442695020e+00, v32;
	v19 =	vmul.f32 v19, v21  }
0x2b3: {  	v22 =	vadd.f32 v23, v22;
	v27 =	vmul.f32 $1.442695020e+00, v33;
	(erf) = vpow2.f32 v31  }
0x2b4: {  	(erf) = vpow2.f32 v32;
	v19 =	vadd.f32 $0.0e+00, v19;
	v18 =	vmul.f32 v18, v28  }
0x2b5: {  	vm1 =	vle.f32 v16, $5.000000000e+01;
	v16 =	vmovc v36;
	(erf) = vpow2.f32 v27;
	v20 =	vmul.f32 v20, v25  }
0x2b6: {  	v25 =	vmul.f32 v30, v29;
	v21 =	vpop (erf);
	v27 =	vadd.f32 v19, v18;
	v22 =	vmul.f32 v22, v26  }
0x2b7: {  	v19 =	vmul.f32 v21, v4;
	v18 =	vmul.f32 v21, v7;
	v28 =	vpop (erf);
	v29 =	vadd.f32 $0.0e+00, v20  }
0x2b8: {  	v23 =	vmul.f32 v21, v9;
	v26 =	vmul.f32 v28, v11;
	v21 =	vpop (erf);
	v27 =	vadd.f32 v27, v22  }
.Ltmp7:
0x2b9: {  	v30 =	vmul.f32 v28, v8;
	v20 =	vmul.f32 v21, v4;
	v32 =	vpop (erf);
	v35 =	vadd.f32 v29, v25;
	(pc) =	sbr.rel @p0 .LBB2_16-.Ltmp7, $4  }
0x2ba: {  	s12 =	sadd.s32 $0x20, s12;
	v22 =	vmul.f32 v28, v10;
	v37 =	vmul.f32 v21, v7;
	v33 =	vpop (erf);
	v27 =	vnsel vm1, $0x0, v27  }
0x2bb: {  	v34 =	vmul.f32 v21, v9;
	v28 =	vmul.f32 v33, v10;
	v36 =	vadd.f32 v35, v24;
	[tilespmem:s11+$0x0] =	vst v27  }
0x2bc: {  	v31 =	vmul.f32 v32, v3;
	v24 =	vmul.f32 v32, v5;
	v30 =	vadd.f32 v30, v37;
	v25 =	vpop (erf)  }
0x2bd: {  	s17 =	sadd.s32 $0x20, s17;
	v35 =	vmul.f32 v33, v11;
	v21 =	vmul.f32 v25, v6;
	v29 =	vpop (erf);
	v27 =	vnsel vm0, $0x0, v36  }
0x2be: {  	v4 =	vadd.f32 v26, v34;
	v7 =	vmul.f32 v32, v1;
	v8 =	vmul.f32 v33, v8  }
0x2bf: {  	s10 =	sadd.s32 $0x20, s10;
	v10 =	vmul.f32 v25, v2;
	v11 =	vadd.f32 v28, v19;
	v5 =	vmul.f32 v29, v5  }
0x2c0: {  	v9 =	vpop (erf);
	s12 =	sand.u32 $0x1E0, s12;
	v13 =	vadd.f32 v22, v20;
	v3 =	vmul.f32 v29, v3;
	v15 =	vadd.f32 v30, v31;
	v14 =	vld [tilespmem:s10+$0xFFFFFC00]  }
0x2c1: {  	v6 =	vmul.f32 v9, v6;
	v49 =	vld [tilespmem:s12+$0x4200];
	v8 =	vadd.f32 v8, v18;
	v5 =	vadd.f32 v11, v5  }
0x2c2: {  	v50 =	vmul.f32 v29, v1;
	v12 =	vadd.f32 v35, v23;
	v51 =	vld [tilespmem:s10+$0xFFFFFE00];
	v13 =	vadd.f32 v13, v24  }
0x2c3: {  	v52 =	vmul.f32 v9, v2;
	v53 =	vld [tilespmem:s12+$0x4400];
	v3 =	vadd.f32 v8, v3;
	v5 =	vadd.f32 v5, v6  }
0x2c4: {  	v59 =	vmul.f32 v25, v0;
	v54 =	vmul.f32 v9, v0;
	v56 =	vld [tilespmem:s10+$0x0];
	v55 =	vadd.f32 v13, v21  }
0x2c5: {  	v57 =	vld [tilespmem:s12+$0x4600];
	v1 =	vadd.f32 v12, v50;
	v2 =	vadd.f32 v3, v52;
	v58 =	vmul.f32 v5, v14  }
0x2c6: {  	v4 =	vadd.f32 v4, v7;
	v60 =	vadd.f32 v15, v10;
	v8 =	vmul.f32 v55, v49  }
0x2c7: {  	v1 =	vadd.f32 v1, v54;
	v3 =	vadd.f32 $0.0e+00, v58;
	v2 =	vmul.f32 v2, v51  }
0x2c8: {  	v0 =	vadd.f32 v4, v59;
	v61 =	vmul.f32 v60, v53;
	v62 =	vadd.f32 $0.0e+00, v8  }
0x2c9: {  	v1 =	vmul.f32 v1, v56;
	v2 =	vadd.f32 v3, v2  }
0x2ca: {  	v0 =	vmul.f32 v0, v57;
	v63 =	vadd.f32 v62, v61  }
0x2cb: {  	v1 =	vadd.f32 v2, v1  }
0x2cc: {  	vm0 =	vle.f32 v16, $5.000000000e+01;
	v0 =	vadd.f32 v63, v0  }
0x2cd: {  	[tilespmem:s11+$0xFFFFFFF0] =	vst v27;
	s19 =	sadd.s32 $0x20, s11;
	vm1 =	vle.f32 v17, $5.000000000e+01;
	s2 =	sadd.s32 $0x1, s2;
	v1 =	vnsel vm0, $0x0, v1  }
0x2ce: {  	p0 =	sne.s32 s2, s9;
	v0 =	vnsel vm1, $0x0, v0;
	[tilespmem:s19+$0x0] =	vst v1  }
.Ltmp8:
0x2cf: {  	[tilespmem:s19+$0xFFFFFFF0] =	vst v0;
	(pc) =	sbr.rel @p0 .LBB2_1-.Ltmp8, $4  }
0x2d0: {  	[hbm4b:s8+s3] =	stream.linear.scatter [tilespmem:s31], [sflag:$0x9], $0x800, $0x38;
	[tilespmem:$0x5800] =	vst v63  }
0x2d1: {  	_ =	swait.ge [sflag:s0], $0x800  }
0x2d2: {  	[sflag:s0] =	ssyncset.done $0x0  }
0x2d3: {  	[sflag:s0] =	ssyncadd.s32 $0xFFFFF800  }
0x2d4: {  	_ =	sfence.sel $0x180000  }
0x2d5: {  	[bflag:$0x0] =	sbarrier.arrive $0xFFFF  }
0x2d6: {  	_ =	strace $0x90000047  }
0x2d7: {  	s0 =	stileid.u32;
	[bflag:$0x2] =	sbarrier.arrive $0xFFFF  }
0x2d8: {  	p0 =	sne.s32 s0, $0x0;
	s0 =	rddreg [dreg:$0x5]  }
0x2d9: {  	s0 =	sadd.s32 @!p0 $0x100000, s0  }
0x2da: {  	[sflag:s0] =	ssyncadd.tile.s32 @!p0 $0x1;
	_ =	shalt  }
.Lfunc_end2:
_tile_overlayer_lowered:
.L_overlay_start_2:
0x2db: {  	(tag) =	ssettag $0x2  }
0x2dc: {  	s0 =	rddreg [dreg:$0x0];
	s2 =	stileid.u32  }
0x2dd: {  	s1 =	rddreg [dreg:$0x1];
	p0 =	sne.s32 s2, $0x0  }
0x2de: {  	s3 =	rddreg [dreg:$0x2];
	[bflag:$0x3] =	sbarrier.arrive $0xFFFF;
	s2 =	simm.s32 @!p0 $0x1C09  }
0x2df: {  	[timem:s3], [sflag:s2] =	dma.local @!p0 [hbm:s0], s1  }
0x2e0: {  	s0 =	simm.s32 @!p0 $0x9  }
0x2e1: {  	_ =	swait.ge @!p0 [sflag:s0], s1  }
0x2e2: {  	s1 =	ssub.s32 @!p0 $0x0, s1;
	[sflag:s0] =	ssyncset.done @!p0 $0x0  }
0x2e3: {  	[sflag:s0] =	ssyncadd.s32 @!p0 s1  }
0x2e4: {  	[bflag:$0x3] =	sbarrier.arrive $0xFFFF  }
0x2e5: {  	_ =	shalt  }

</sc_bundles>
